<compile_context>
chip_gen: v7x
topology: tpu7x:2x2x1
jax: 0.10.2.dev20260603
libtpu: 0.0.44.dev20260713+nightly
codegen_flags: <defaults>
</compile_context>

<pallas_src>
import functools

import jax
import jax.numpy as jnp
from jax import lax
from jax.experimental import pallas as pl
from jax.experimental.pallas import tpu as pltpu
from jax.experimental.pallas import tpu_sc as plsc

B = 16384
F = 26
V = 100000
D = 16

NC = 2
NS = 16
NW = NC * NS

NPP = (F * D) // NW
CB = 4096
NCHB = B // CB
LANES = 16

_mesh = plsc.VectorSubcoreMesh(core_axis_name="c", subcore_axis_name="s")


@functools.partial(
    pl.kernel,
    mesh=_mesh,
    out_type=jax.ShapeDtypeStruct((F, D, B), jnp.float32),
    compiler_params=pltpu.CompilerParams(
        use_tc_tiling_on_sc=True, needs_layout_passes=False
    ),
    scratch_types=[
        pltpu.VMEM((V,), jnp.float32),
        pltpu.VMEM((B,), jnp.int32),
        pltpu.VMEM((CB,), jnp.float32),
        pltpu.VMEM((CB,), jnp.float32),
        pltpu.SemaphoreType.DMA,
        pltpu.SemaphoreType.DMA,
        pltpu.SemaphoreType.DMA,
        pltpu.SemaphoreType.DMA,
    ],
)
def _gather_kernel(idx_hbm, table_hbm, out_hbm, row_v, idx_v, ob0, ob1, rsem, isem, osem, osem2):
    wid = lax.axis_index("s") * NC + lax.axis_index("c")
    p0 = wid * NPP

    f0 = p0 // D
    pltpu.async_copy(table_hbm.at[f0, p0 % D], row_v, rsem)
    pltpu.sync_copy(idx_hbm.at[f0], idx_v)

    def pair_body(j, carry):
        p = p0 + j
        f = p // D
        d = p % D
        pltpu.make_async_copy(table_hbm.at[f, d], row_v, rsem).wait()

        for c in range(NCHB):
            k = c % 2
            ob = (ob0, ob1)[k]
            sem = (osem, osem2)[k]
            dst = out_hbm.at[f, d, pl.ds(c * CB, CB)]
            if c >= 2:
                pltpu.make_async_copy(ob, dst, sem).wait()
            else:

                @pl.when(j >= 1)
                def _wait_prev():
                    pltpu.make_async_copy(ob, dst, sem).wait()

            GRP = 16
            SPAN = GRP * LANES

            def body(i, carry):
                ivs = [
                    idx_v[pl.ds(c * CB + i * SPAN + t * LANES, LANES)]
                    for t in range(GRP)
                ]
                gs = [plsc.load_gather(row_v, [iv]) for iv in ivs]
                for t in range(GRP):
                    ob[pl.ds(i * SPAN + t * LANES, LANES)] = gs[t]
                return carry

            lax.fori_loop(0, CB // SPAN, body, 0)
            pltpu.async_copy(ob, dst, sem)

        @pl.when(j + 1 < NPP)
        def _prefetch_next():
            pn = p + 1
            fn = pn // D
            pltpu.async_copy(table_hbm.at[fn, pn % D], row_v, rsem)

            @pl.when(fn != f)
            def _reload_idx():
                pltpu.sync_copy(idx_hbm.at[fn], idx_v)

        return carry

    lax.fori_loop(0, NPP, pair_body, 0)

    pltpu.make_async_copy(ob0, out_hbm.at[0, 0, pl.ds(2 * CB, CB)], osem).wait()
    pltpu.make_async_copy(ob1, out_hbm.at[0, 0, pl.ds(3 * CB, CB)], osem2).wait()


def kernel(node_feature, tables):
    out_t = _gather_kernel(node_feature.T, tables.transpose(0, 2, 1))
    return out_t.reshape(F * D, B).T

# --- scband reference (transcript-rebuilt; emitter-appended) ---
"""Pipeline reference for scband-transaction-node-encoder-41068477284884 (READ-ONLY COPY).

The authoritative reference and input builder live on the scoring server;
editing this copy changes nothing except your own understanding.
"""

import jax, jax.numpy as jnp
import numpy as np

B = 16384
F = 26
V = 100000
D = 16

def setup_inputs(seed: int = 0) -> dict:
    key = jax.random.key(seed)
    k1, k2 = jax.random.split(key)
    node_feature = jax.random.randint(k1, (B, F), 0, V)
    # xavier_uniform init per torch.nn.init.xavier_uniform_ on each (V, D) table
    scale = float(np.sqrt(6.0 / (V + D)))
    tables = jax.random.uniform(k2, (F, V, D), minval=-scale, maxval=scale, dtype=jnp.float32)
    return {"node_feature": node_feature, "tables": tables}

def reference(node_feature, tables):
    # tables: [F, V, D]; node_feature: [B, F] int
    F_, V_, D_ = tables.shape
    B_ = node_feature.shape[0]
    # per-field embedding lookup, equivalent to looping over embedding_list and cat(dim=1)
    emb = tables[jnp.arange(F_)[None, :], node_feature]  # [B, F, D]
    return emb.reshape(B_, F_ * D_)

if __name__ == "__main__":
    import jax
    _d = setup_inputs()
    print(jax.jit(kernel)(*tuple(_d.values())))

</pallas_src>

<mosaic_0001>
#map = affine_map<(d0, d1) -> (0, 0)>
#map1 = affine_map<(d0, d1) -> (0, 0, 0)>
module attributes {stable_mosaic.version = 14 : i64} {
  func.func @_gather_kernel(%arg0: i32, %arg1: i32, %arg2: memref<26x16384xi32, #tpu.memory_space<hbm>>, %arg3: memref<26x16x100000xf32, #tpu.memory_space<hbm>>, %arg4: memref<26x16x16384xf32, #tpu.memory_space<hbm>>, %arg5: memref<100000xf32, #tpu.memory_space<vmem>>, %arg6: memref<16384xi32, #tpu.memory_space<vmem>>, %arg7: memref<4096xf32, #tpu.memory_space<vmem>>, %arg8: memref<4096xf32, #tpu.memory_space<vmem>>, %arg9: memref<!tpu.dma_semaphore, #tpu.memory_space<semaphore_mem>>, %arg10: memref<!tpu.dma_semaphore, #tpu.memory_space<semaphore_mem>>, %arg11: memref<!tpu.dma_semaphore, #tpu.memory_space<semaphore_mem>>, %arg12: memref<!tpu.dma_semaphore, #tpu.memory_space<semaphore_mem>>) attributes {dimension_semantics = [#tpu.dimension_semantics<core_parallel>, #tpu.dimension_semantics<subcore_parallel>], iteration_bounds = array<i64: 2, 16>, scalar_prefetch = 0 : i64, scratch_operands = 8 : i64, tpu.core_type = #tpu.core_type<sc_vector_subcore>, window_params = [{transform_indices = #map}, {transform_indices = #map1}, {transform_indices = #map1}]} {
    %mul3A = arith.constant 2 : i32
    %mul3A_0 = arith.muli %arg1, %mul3A : i32
    %add3A = arith.addi %mul3A_0, %arg0 : i32
    %mul3A_1 = arith.constant 13 : i32
    %mul3A_2 = arith.muli %add3A, %mul3A_1 : i32
    %jit3A = arith.constant 16 : i32
    %div3A = arith.divsi %mul3A_2, %jit3A : i32
    %sign3A = arith.constant 0 : i32
    %sign3A_3 = arith.cmpi sgt, %mul3A_2, %sign3A : i32
    %sign3A_4 = arith.extui %sign3A_3 : i1 to i32
    %sign3A_5 = arith.constant 0 : i32
    %sign3A_6 = arith.cmpi slt, %mul3A_2, %sign3A_5 : i32
    %sign3A_7 = arith.extui %sign3A_6 : i1 to i32
    %sign3A_8 = arith.subi %sign3A_4, %sign3A_7 : i32
    %sign3A_9 = arith.constant 0 : i32
    %sign3A_10 = arith.cmpi sgt, %jit3A, %sign3A_9 : i32
    %sign3A_11 = arith.extui %sign3A_10 : i1 to i32
    %sign3A_12 = arith.constant 0 : i32
    %sign3A_13 = arith.cmpi slt, %jit3A, %sign3A_12 : i32
    %sign3A_14 = arith.extui %sign3A_13 : i1 to i32
    %sign3A_15 = arith.subi %sign3A_11, %sign3A_14 : i32
    %ne3A = arith.cmpi ne, %sign3A_8, %sign3A_15 : i32
    %rem3A = arith.remsi %mul3A_2, %jit3A : i32
    %ne3A_16 = arith.constant 0 : i32
    %ne3A_17 = arith.cmpi ne, %rem3A, %ne3A_16 : i32
    %and3A = arith.andi %ne3A, %ne3A_17 : i1
    %sub3A = arith.constant 1 : i32
    %sub3A_18 = arith.subi %div3A, %sub3A : i32
    %select_n3A = arith.select %and3A, %sub3A_18, %div3A : i32
    %jit3A_19 = arith.constant 16 : i32
    %eq3A = arith.constant 0 : i32
    %eq3A_20 = arith.cmpi eq, %jit3A_19, %eq3A : i32
    %jit3A_21 = arith.constant 1 : i32
    %select_n3A_22 = arith.select %eq3A_20, %jit3A_21, %jit3A_19 : i32
    %rem3A_23 = arith.remsi %mul3A_2, %select_n3A_22 : i32
    %ne3A_24 = arith.constant 0 : i32
    %ne3A_25 = arith.cmpi ne, %rem3A_23, %ne3A_24 : i32
    %lt3A = arith.constant 0 : i32
    %lt3A_26 = arith.cmpi slt, %rem3A_23, %lt3A : i32
    %lt3A_27 = arith.constant 0 : i32
    %lt3A_28 = arith.cmpi slt, %select_n3A_22, %lt3A_27 : i32
    %ne3A_29 = arith.xori %lt3A_26, %lt3A_28 : i1
    %and3A_30 = arith.andi %ne3A_29, %ne3A_25 : i1
    %add3A_31 = arith.addi %rem3A_23, %select_n3A_22 : i32
    %select_n3A_32 = arith.select %and3A_30, %add3A_31, %rem3A_23 : i32
    %dma_start3A = arith.constant 0 : i32
    %dma_start3A_33 = tpu.memref_slice %arg3[%select_n3A, %select_n3A_32, %dma_start3A] : memref<26x16x100000xf32, #tpu.memory_space<hbm>> -> memref<1x1x100000xf32, #tpu.memory_space<hbm>>
    %dma_start3A_34 = tpu.memref_squeeze %dma_start3A_33 : memref<1x1x100000xf32, #tpu.memory_space<hbm>> -> memref<100000xf32, #tpu.memory_space<hbm>>
    %dma_start3A_35 = arith.constant 0 : i32
    %dma_start3A_36 = tpu.memref_slice %arg3[%select_n3A, %select_n3A_32, %dma_start3A_35] : memref<26x16x100000xf32, #tpu.memory_space<hbm>> -> memref<1x1x100000xf32, #tpu.memory_space<hbm>>
    %dma_start3A_37 = tpu.memref_squeeze %dma_start3A_36 : memref<1x1x100000xf32, #tpu.memory_space<hbm>> -> memref<100000xf32, #tpu.memory_space<hbm>>
    tpu.enqueue_dma source(%dma_start3A_37 : memref<100000xf32, #tpu.memory_space<hbm>>) target(%arg5 : memref<100000xf32, #tpu.memory_space<vmem>>) target_semaphore(%arg9 : memref<!tpu.dma_semaphore, #tpu.memory_space<semaphore_mem>>)
    "tpu.region"() ({
      %run_scoped3A = tpu.sem_alloc : memref<!tpu.dma_semaphore, #tpu.memory_space<semaphore_mem>>
      %dma_start3A_58 = arith.constant 0 : i32
      %dma_start3A_59 = tpu.memref_slice %arg2[%select_n3A, %dma_start3A_58] : memref<26x16384xi32, #tpu.memory_space<hbm>> -> memref<1x16384xi32, #tpu.memory_space<hbm>>
      %dma_start3A_60 = tpu.memref_squeeze %dma_start3A_59 : memref<1x16384xi32, #tpu.memory_space<hbm>> -> memref<16384xi32, #tpu.memory_space<hbm>>
      %dma_start3A_61 = arith.constant 0 : i32
      %dma_start3A_62 = tpu.memref_slice %arg2[%select_n3A, %dma_start3A_61] : memref<26x16384xi32, #tpu.memory_space<hbm>> -> memref<1x16384xi32, #tpu.memory_space<hbm>>
      %dma_start3A_63 = tpu.memref_squeeze %dma_start3A_62 : memref<1x16384xi32, #tpu.memory_space<hbm>> -> memref<16384xi32, #tpu.memory_space<hbm>>
      tpu.enqueue_dma source(%dma_start3A_63 : memref<16384xi32, #tpu.memory_space<hbm>>) target(%arg6 : memref<16384xi32, #tpu.memory_space<vmem>>) target_semaphore(%run_scoped3A : memref<!tpu.dma_semaphore, #tpu.memory_space<semaphore_mem>>)
      %dma_wait3A_64 = arith.constant 0 : i32
      %dma_wait3A_65 = tpu.memref_slice %arg2[%select_n3A, %dma_wait3A_64] : memref<26x16384xi32, #tpu.memory_space<hbm>> -> memref<1x16384xi32, #tpu.memory_space<hbm>>
      %dma_wait3A_66 = tpu.memref_squeeze %dma_wait3A_65 : memref<1x16384xi32, #tpu.memory_space<hbm>> -> memref<16384xi32, #tpu.memory_space<hbm>>
      %dma_wait3A_67 = arith.constant 0 : i32
      %dma_wait3A_68 = tpu.memref_slice %arg2[%select_n3A, %dma_wait3A_67] : memref<26x16384xi32, #tpu.memory_space<hbm>> -> memref<1x16384xi32, #tpu.memory_space<hbm>>
      %dma_wait3A_69 = tpu.memref_squeeze %dma_wait3A_68 : memref<1x16384xi32, #tpu.memory_space<hbm>> -> memref<16384xi32, #tpu.memory_space<hbm>>
      tpu.wait_dma2 semaphore(%run_scoped3A : memref<!tpu.dma_semaphore, #tpu.memory_space<semaphore_mem>>) src(%dma_wait3A_69 : memref<16384xi32, #tpu.memory_space<hbm>>) dst(%arg6 : memref<16384xi32, #tpu.memory_space<vmem>>)
      tpu.yield
    }) : () -> ()
    %scan3A = arith.constant 0 : i32
    %scan3A_38 = arith.constant 0 : i32
    %scan3A_39 = arith.constant 13 : i32
    %scan3A_40 = arith.addi %scan3A_38, %scan3A_39 : i32
    %scan3A_41 = arith.constant 1 : i32
    scf.for %scan3A_58 = %scan3A_38 to %scan3A_40 step %scan3A_41  : i32 {
      %add3A_59 = arith.addi %mul3A_2, %scan3A_58 : i32
      %jit3A_60 = arith.constant 16 : i32
      %div3A_61 = arith.divsi %add3A_59, %jit3A_60 : i32
      %sign3A_62 = arith.constant 0 : i32
      %sign3A_63 = arith.cmpi sgt, %add3A_59, %sign3A_62 : i32
      %sign3A_64 = arith.extui %sign3A_63 : i1 to i32
      %sign3A_65 = arith.constant 0 : i32
      %sign3A_66 = arith.cmpi slt, %add3A_59, %sign3A_65 : i32
      %sign3A_67 = arith.extui %sign3A_66 : i1 to i32
      %sign3A_68 = arith.subi %sign3A_64, %sign3A_67 : i32
      %sign3A_69 = arith.constant 0 : i32
      %sign3A_70 = arith.cmpi sgt, %jit3A_60, %sign3A_69 : i32
      %sign3A_71 = arith.extui %sign3A_70 : i1 to i32
      %sign3A_72 = arith.constant 0 : i32
      %sign3A_73 = arith.cmpi slt, %jit3A_60, %sign3A_72 : i32
      %sign3A_74 = arith.extui %sign3A_73 : i1 to i32
      %sign3A_75 = arith.subi %sign3A_71, %sign3A_74 : i32
      %ne3A_76 = arith.cmpi ne, %sign3A_68, %sign3A_75 : i32
      %rem3A_77 = arith.remsi %add3A_59, %jit3A_60 : i32
      %ne3A_78 = arith.constant 0 : i32
      %ne3A_79 = arith.cmpi ne, %rem3A_77, %ne3A_78 : i32
      %and3A_80 = arith.andi %ne3A_76, %ne3A_79 : i1
      %sub3A_81 = arith.constant 1 : i32
      %sub3A_82 = arith.subi %div3A_61, %sub3A_81 : i32
      %select_n3A_83 = arith.select %and3A_80, %sub3A_82, %div3A_61 : i32
      %jit3A_84 = arith.constant 16 : i32
      %eq3A_85 = arith.constant 0 : i32
      %eq3A_86 = arith.cmpi eq, %jit3A_84, %eq3A_85 : i32
      %jit3A_87 = arith.constant 1 : i32
      %select_n3A_88 = arith.select %eq3A_86, %jit3A_87, %jit3A_84 : i32
      %rem3A_89 = arith.remsi %add3A_59, %select_n3A_88 : i32
      %ne3A_90 = arith.constant 0 : i32
      %ne3A_91 = arith.cmpi ne, %rem3A_89, %ne3A_90 : i32
      %lt3A_92 = arith.constant 0 : i32
      %lt3A_93 = arith.cmpi slt, %rem3A_89, %lt3A_92 : i32
      %lt3A_94 = arith.constant 0 : i32
      %lt3A_95 = arith.cmpi slt, %select_n3A_88, %lt3A_94 : i32
      %ne3A_96 = arith.xori %lt3A_93, %lt3A_95 : i1
      %and3A_97 = arith.andi %ne3A_96, %ne3A_91 : i1
      %add3A_98 = arith.addi %rem3A_89, %select_n3A_88 : i32
      %select_n3A_99 = arith.select %and3A_97, %add3A_98, %rem3A_89 : i32
      %dma_wait3A_100 = arith.constant 0 : i32
      %dma_wait3A_101 = tpu.memref_slice %arg3[%select_n3A_83, %select_n3A_99, %dma_wait3A_100] : memref<26x16x100000xf32, #tpu.memory_space<hbm>> -> memref<1x1x100000xf32, #tpu.memory_space<hbm>>
      %dma_wait3A_102 = tpu.memref_squeeze %dma_wait3A_101 : memref<1x1x100000xf32, #tpu.memory_space<hbm>> -> memref<100000xf32, #tpu.memory_space<hbm>>
      %dma_wait3A_103 = arith.constant 0 : i32
      %dma_wait3A_104 = tpu.memref_slice %arg3[%select_n3A_83, %select_n3A_99, %dma_wait3A_103] : memref<26x16x100000xf32, #tpu.memory_space<hbm>> -> memref<1x1x100000xf32, #tpu.memory_space<hbm>>
      %dma_wait3A_105 = tpu.memref_squeeze %dma_wait3A_104 : memref<1x1x100000xf32, #tpu.memory_space<hbm>> -> memref<100000xf32, #tpu.memory_space<hbm>>
      tpu.wait_dma2 semaphore(%arg9 : memref<!tpu.dma_semaphore, #tpu.memory_space<semaphore_mem>>) src(%dma_wait3A_105 : memref<100000xf32, #tpu.memory_space<hbm>>) dst(%arg5 : memref<100000xf32, #tpu.memory_space<vmem>>)
      %ge3A = arith.constant 1 : i32
      %ge3A_106 = arith.cmpi sge, %scan3A_58, %ge3A : i32
      %convert_element_type3A = arith.extui %ge3A_106 : i1 to i32
      %cond3A = arith.constant 0 : i32
      %cond3A_107 = arith.cmpi ne, %convert_element_type3A, %cond3A : i32
      scf.if %cond3A_107 {
        %dma_wait3A_180 = arith.constant 0 : i32
        %dma_wait3A_181 = tpu.memref_slice %arg4[%select_n3A_83, %select_n3A_99, %dma_wait3A_180] : memref<26x16x16384xf32, #tpu.memory_space<hbm>> -> memref<1x1x4096xf32, #tpu.memory_space<hbm>>
        %dma_wait3A_182 = tpu.memref_squeeze %dma_wait3A_181 : memref<1x1x4096xf32, #tpu.memory_space<hbm>> -> memref<4096xf32, #tpu.memory_space<hbm>>
        %dma_wait3A_183 = arith.constant 0 : i32
        %dma_wait3A_184 = tpu.memref_slice %arg4[%select_n3A_83, %select_n3A_99, %dma_wait3A_183] : memref<26x16x16384xf32, #tpu.memory_space<hbm>> -> memref<1x1x4096xf32, #tpu.memory_space<hbm>>
        %dma_wait3A_185 = tpu.memref_squeeze %dma_wait3A_184 : memref<1x1x4096xf32, #tpu.memory_space<hbm>> -> memref<4096xf32, #tpu.memory_space<hbm>>
        tpu.wait_dma2 semaphore(%arg11 : memref<!tpu.dma_semaphore, #tpu.memory_space<semaphore_mem>>) src(%arg7 : memref<4096xf32, #tpu.memory_space<vmem>>) dst(%dma_wait3A_185 : memref<4096xf32, #tpu.memory_space<hbm>>)
      } else {
      }
      %scan3A_108 = arith.constant 0 : i32
      %scan3A_109 = arith.constant 0 : i32
      %scan3A_110 = arith.constant 16 : i32
      %scan3A_111 = arith.addi %scan3A_109, %scan3A_110 : i32
      %scan3A_112 = arith.constant 1 : i32
      scf.for %scan3A_180 = %scan3A_109 to %scan3A_111 step %scan3A_112  : i32 {
        %mul3A_181 = arith.constant 256 : i32
        %mul3A_182 = arith.muli %scan3A_180, %mul3A_181 : i32
        %add3A_183 = arith.constant 0 : i32
        %add3A_184 = arith.addi %add3A_183, %mul3A_182 : i32
        %add3A_185 = arith.constant 0 : i32
        %add3A_186 = arith.addi %add3A_184, %add3A_185 : i32
        %get3A = arith.index_cast %add3A_186 : i32 to index
        %get3A_187 = tpu.vector_load %arg6[%get3A] {strides = array<i32>} : memref<16384xi32, #tpu.memory_space<vmem>>, vector<16xi32>,
        %mul3A_188 = arith.constant 256 : i32
        %mul3A_189 = arith.muli %scan3A_180, %mul3A_188 : i32
        %add3A_190 = arith.constant 0 : i32
        %add3A_191 = arith.addi %add3A_190, %mul3A_189 : i32
        %add3A_192 = arith.constant 16 : i32
        %add3A_193 = arith.addi %add3A_191, %add3A_192 : i32
        %get3A_194 = arith.index_cast %add3A_193 : i32 to index
        %get3A_195 = tpu.vector_load %arg6[%get3A_194] {strides = array<i32>} : memref<16384xi32, #tpu.memory_space<vmem>>, vector<16xi32>,
        %mul3A_196 = arith.constant 256 : i32
        %mul3A_197 = arith.muli %scan3A_180, %mul3A_196 : i32
        %add3A_198 = arith.constant 0 : i32
        %add3A_199 = arith.addi %add3A_198, %mul3A_197 : i32
        %add3A_200 = arith.constant 32 : i32
        %add3A_201 = arith.addi %add3A_199, %add3A_200 : i32
        %get3A_202 = arith.index_cast %add3A_201 : i32 to index
        %get3A_203 = tpu.vector_load %arg6[%get3A_202] {strides = array<i32>} : memref<16384xi32, #tpu.memory_space<vmem>>, vector<16xi32>,
        %mul3A_204 = arith.constant 256 : i32
        %mul3A_205 = arith.muli %scan3A_180, %mul3A_204 : i32
        %add3A_206 = arith.constant 0 : i32
        %add3A_207 = arith.addi %add3A_206, %mul3A_205 : i32
        %add3A_208 = arith.constant 48 : i32
        %add3A_209 = arith.addi %add3A_207, %add3A_208 : i32
        %get3A_210 = arith.index_cast %add3A_209 : i32 to index
        %get3A_211 = tpu.vector_load %arg6[%get3A_210] {strides = array<i32>} : memref<16384xi32, #tpu.memory_space<vmem>>, vector<16xi32>,
        %mul3A_212 = arith.constant 256 : i32
        %mul3A_213 = arith.muli %scan3A_180, %mul3A_212 : i32
        %add3A_214 = arith.constant 0 : i32
        %add3A_215 = arith.addi %add3A_214, %mul3A_213 : i32
        %add3A_216 = arith.constant 64 : i32
        %add3A_217 = arith.addi %add3A_215, %add3A_216 : i32
        %get3A_218 = arith.index_cast %add3A_217 : i32 to index
        %get3A_219 = tpu.vector_load %arg6[%get3A_218] {strides = array<i32>} : memref<16384xi32, #tpu.memory_space<vmem>>, vector<16xi32>,
        %mul3A_220 = arith.constant 256 : i32
        %mul3A_221 = arith.muli %scan3A_180, %mul3A_220 : i32
        %add3A_222 = arith.constant 0 : i32
        %add3A_223 = arith.addi %add3A_222, %mul3A_221 : i32
        %add3A_224 = arith.constant 80 : i32
        %add3A_225 = arith.addi %add3A_223, %add3A_224 : i32
        %get3A_226 = arith.index_cast %add3A_225 : i32 to index
        %get3A_227 = tpu.vector_load %arg6[%get3A_226] {strides = array<i32>} : memref<16384xi32, #tpu.memory_space<vmem>>, vector<16xi32>,
        %mul3A_228 = arith.constant 256 : i32
        %mul3A_229 = arith.muli %scan3A_180, %mul3A_228 : i32
        %add3A_230 = arith.constant 0 : i32
        %add3A_231 = arith.addi %add3A_230, %mul3A_229 : i32
        %add3A_232 = arith.constant 96 : i32
        %add3A_233 = arith.addi %add3A_231, %add3A_232 : i32
        %get3A_234 = arith.index_cast %add3A_233 : i32 to index
        %get3A_235 = tpu.vector_load %arg6[%get3A_234] {strides = array<i32>} : memref<16384xi32, #tpu.memory_space<vmem>>, vector<16xi32>,
        %mul3A_236 = arith.constant 256 : i32
        %mul3A_237 = arith.muli %scan3A_180, %mul3A_236 : i32
        %add3A_238 = arith.constant 0 : i32
        %add3A_239 = arith.addi %add3A_238, %mul3A_237 : i32
        %add3A_240 = arith.constant 112 : i32
        %add3A_241 = arith.addi %add3A_239, %add3A_240 : i32
        %get3A_242 = arith.index_cast %add3A_241 : i32 to index
        %get3A_243 = tpu.vector_load %arg6[%get3A_242] {strides = array<i32>} : memref<16384xi32, #tpu.memory_space<vmem>>, vector<16xi32>,
        %mul3A_244 = arith.constant 256 : i32
        %mul3A_245 = arith.muli %scan3A_180, %mul3A_244 : i32
        %add3A_246 = arith.constant 0 : i32
        %add3A_247 = arith.addi %add3A_246, %mul3A_245 : i32
        %add3A_248 = arith.constant 128 : i32
        %add3A_249 = arith.addi %add3A_247, %add3A_248 : i32
        %get3A_250 = arith.index_cast %add3A_249 : i32 to index
        %get3A_251 = tpu.vector_load %arg6[%get3A_250] {strides = array<i32>} : memref<16384xi32, #tpu.memory_space<vmem>>, vector<16xi32>,
        %mul3A_252 = arith.constant 256 : i32
        %mul3A_253 = arith.muli %scan3A_180, %mul3A_252 : i32
        %add3A_254 = arith.constant 0 : i32
        %add3A_255 = arith.addi %add3A_254, %mul3A_253 : i32
        %add3A_256 = arith.constant 144 : i32
        %add3A_257 = arith.addi %add3A_255, %add3A_256 : i32
        %get3A_258 = arith.index_cast %add3A_257 : i32 to index
        %get3A_259 = tpu.vector_load %arg6[%get3A_258] {strides = array<i32>} : memref<16384xi32, #tpu.memory_space<vmem>>, vector<16xi32>,
        %mul3A_260 = arith.constant 256 : i32
        %mul3A_261 = arith.muli %scan3A_180, %mul3A_260 : i32
        %add3A_262 = arith.constant 0 : i32
        %add3A_263 = arith.addi %add3A_262, %mul3A_261 : i32
        %add3A_264 = arith.constant 160 : i32
        %add3A_265 = arith.addi %add3A_263, %add3A_264 : i32
        %get3A_266 = arith.index_cast %add3A_265 : i32 to index
        %get3A_267 = tpu.vector_load %arg6[%get3A_266] {strides = array<i32>} : memref<16384xi32, #tpu.memory_space<vmem>>, vector<16xi32>,
        %mul3A_268 = arith.constant 256 : i32
        %mul3A_269 = arith.muli %scan3A_180, %mul3A_268 : i32
        %add3A_270 = arith.constant 0 : i32
        %add3A_271 = arith.addi %add3A_270, %mul3A_269 : i32
        %add3A_272 = arith.constant 176 : i32
        %add3A_273 = arith.addi %add3A_271, %add3A_272 : i32
        %get3A_274 = arith.index_cast %add3A_273 : i32 to index
        %get3A_275 = tpu.vector_load %arg6[%get3A_274] {strides = array<i32>} : memref<16384xi32, #tpu.memory_space<vmem>>, vector<16xi32>,
        %mul3A_276 = arith.constant 256 : i32
        %mul3A_277 = arith.muli %scan3A_180, %mul3A_276 : i32
        %add3A_278 = arith.constant 0 : i32
        %add3A_279 = arith.addi %add3A_278, %mul3A_277 : i32
        %add3A_280 = arith.constant 192 : i32
        %add3A_281 = arith.addi %add3A_279, %add3A_280 : i32
        %get3A_282 = arith.index_cast %add3A_281 : i32 to index
        %get3A_283 = tpu.vector_load %arg6[%get3A_282] {strides = array<i32>} : memref<16384xi32, #tpu.memory_space<vmem>>, vector<16xi32>,
        %mul3A_284 = arith.constant 256 : i32
        %mul3A_285 = arith.muli %scan3A_180, %mul3A_284 : i32
        %add3A_286 = arith.constant 0 : i32
        %add3A_287 = arith.addi %add3A_286, %mul3A_285 : i32
        %add3A_288 = arith.constant 208 : i32
        %add3A_289 = arith.addi %add3A_287, %add3A_288 : i32
        %get3A_290 = arith.index_cast %add3A_289 : i32 to index
        %get3A_291 = tpu.vector_load %arg6[%get3A_290] {strides = array<i32>} : memref<16384xi32, #tpu.memory_space<vmem>>, vector<16xi32>,
        %mul3A_292 = arith.constant 256 : i32
        %mul3A_293 = arith.muli %scan3A_180, %mul3A_292 : i32
        %add3A_294 = arith.constant 0 : i32
        %add3A_295 = arith.addi %add3A_294, %mul3A_293 : i32
        %add3A_296 = arith.constant 224 : i32
        %add3A_297 = arith.addi %add3A_295, %add3A_296 : i32
        %get3A_298 = arith.index_cast %add3A_297 : i32 to index
        %get3A_299 = tpu.vector_load %arg6[%get3A_298] {strides = array<i32>} : memref<16384xi32, #tpu.memory_space<vmem>>, vector<16xi32>,
        %mul3A_300 = arith.constant 256 : i32
        %mul3A_301 = arith.muli %scan3A_180, %mul3A_300 : i32
        %add3A_302 = arith.constant 0 : i32
        %add3A_303 = arith.addi %add3A_302, %mul3A_301 : i32
        %add3A_304 = arith.constant 240 : i32
        %add3A_305 = arith.addi %add3A_303, %add3A_304 : i32
        %get3A_306 = arith.index_cast %add3A_305 : i32 to index
        %get3A_307 = tpu.vector_load %arg6[%get3A_306] {strides = array<i32>} : memref<16384xi32, #tpu.memory_space<vmem>>, vector<16xi32>,
        %gather3A = tpu.vector_load_idx %arg5[%get3A_187] : memref<100000xf32, #tpu.memory_space<vmem>>[vector<16xi32>], vector<16xf32>,
        %gather3A_308 = tpu.vector_load_idx %arg5[%get3A_195] : memref<100000xf32, #tpu.memory_space<vmem>>[vector<16xi32>], vector<16xf32>,
        %gather3A_309 = tpu.vector_load_idx %arg5[%get3A_203] : memref<100000xf32, #tpu.memory_space<vmem>>[vector<16xi32>], vector<16xf32>,
        %gather3A_310 = tpu.vector_load_idx %arg5[%get3A_211] : memref<100000xf32, #tpu.memory_space<vmem>>[vector<16xi32>], vector<16xf32>,
        %gather3A_311 = tpu.vector_load_idx %arg5[%get3A_219] : memref<100000xf32, #tpu.memory_space<vmem>>[vector<16xi32>], vector<16xf32>,
        %gather3A_312 = tpu.vector_load_idx %arg5[%get3A_227] : memref<100000xf32, #tpu.memory_space<vmem>>[vector<16xi32>], vector<16xf32>,
        %gather3A_313 = tpu.vector_load_idx %arg5[%get3A_235] : memref<100000xf32, #tpu.memory_space<vmem>>[vector<16xi32>], vector<16xf32>,
        %gather3A_314 = tpu.vector_load_idx %arg5[%get3A_243] : memref<100000xf32, #tpu.memory_space<vmem>>[vector<16xi32>], vector<16xf32>,
        %gather3A_315 = tpu.vector_load_idx %arg5[%get3A_251] : memref<100000xf32, #tpu.memory_space<vmem>>[vector<16xi32>], vector<16xf32>,
        %gather3A_316 = tpu.vector_load_idx %arg5[%get3A_259] : memref<100000xf32, #tpu.memory_space<vmem>>[vector<16xi32>], vector<16xf32>,
        %gather3A_317 = tpu.vector_load_idx %arg5[%get3A_267] : memref<100000xf32, #tpu.memory_space<vmem>>[vector<16xi32>], vector<16xf32>,
        %gather3A_318 = tpu.vector_load_idx %arg5[%get3A_275] : memref<100000xf32, #tpu.memory_space<vmem>>[vector<16xi32>], vector<16xf32>,
        %gather3A_319 = tpu.vector_load_idx %arg5[%get3A_283] : memref<100000xf32, #tpu.memory_space<vmem>>[vector<16xi32>], vector<16xf32>,
        %gather3A_320 = tpu.vector_load_idx %arg5[%get3A_291] : memref<100000xf32, #tpu.memory_space<vmem>>[vector<16xi32>], vector<16xf32>,
        %gather3A_321 = tpu.vector_load_idx %arg5[%get3A_299] : memref<100000xf32, #tpu.memory_space<vmem>>[vector<16xi32>], vector<16xf32>,
        %gather3A_322 = tpu.vector_load_idx %arg5[%get3A_307] : memref<100000xf32, #tpu.memory_space<vmem>>[vector<16xi32>], vector<16xf32>,
        %mul3A_323 = arith.constant 256 : i32
        %mul3A_324 = arith.muli %scan3A_180, %mul3A_323 : i32
        %add3A_325 = arith.constant 0 : i32
        %add3A_326 = arith.addi %mul3A_324, %add3A_325 : i32
        %swap3A = arith.index_cast %add3A_326 : i32 to index
        %swap3A_327 = tpu.vector_load %arg7[%swap3A] {strides = array<i32>} : memref<4096xf32, #tpu.memory_space<vmem>>, vector<16xf32>,
        tpu.vector_store %arg7[%swap3A], %gather3A {strides = array<i32>} : memref<4096xf32, #tpu.memory_space<vmem>>, vector<16xf32>,
        %mul3A_328 = arith.constant 256 : i32
        %mul3A_329 = arith.muli %scan3A_180, %mul3A_328 : i32
        %add3A_330 = arith.constant 16 : i32
        %add3A_331 = arith.addi %mul3A_329, %add3A_330 : i32
        %swap3A_332 = arith.index_cast %add3A_331 : i32 to index
        %swap3A_333 = tpu.vector_load %arg7[%swap3A_332] {strides = array<i32>} : memref<4096xf32, #tpu.memory_space<vmem>>, vector<16xf32>,
        tpu.vector_store %arg7[%swap3A_332], %gather3A_308 {strides = array<i32>} : memref<4096xf32, #tpu.memory_space<vmem>>, vector<16xf32>,
        %mul3A_334 = arith.constant 256 : i32
        %mul3A_335 = arith.muli %scan3A_180, %mul3A_334 : i32
        %add3A_336 = arith.constant 32 : i32
        %add3A_337 = arith.addi %mul3A_335, %add3A_336 : i32
        %swap3A_338 = arith.index_cast %add3A_337 : i32 to index
        %swap3A_339 = tpu.vector_load %arg7[%swap3A_338] {strides = array<i32>} : memref<4096xf32, #tpu.memory_space<vmem>>, vector<16xf32>,
        tpu.vector_store %arg7[%swap3A_338], %gather3A_309 {strides = array<i32>} : memref<4096xf32, #tpu.memory_space<vmem>>, vector<16xf32>,
        %mul3A_340 = arith.constant 256 : i32
        %mul3A_341 = arith.muli %scan3A_180, %mul3A_340 : i32
        %add3A_342 = arith.constant 48 : i32
        %add3A_343 = arith.addi %mul3A_341, %add3A_342 : i32
        %swap3A_344 = arith.index_cast %add3A_343 : i32 to index
        %swap3A_345 = tpu.vector_load %arg7[%swap3A_344] {strides = array<i32>} : memref<4096xf32, #tpu.memory_space<vmem>>, vector<16xf32>,
        tpu.vector_store %arg7[%swap3A_344], %gather3A_310 {strides = array<i32>} : memref<4096xf32, #tpu.memory_space<vmem>>, vector<16xf32>,
        %mul3A_346 = arith.constant 256 : i32
        %mul3A_347 = arith.muli %scan3A_180, %mul3A_346 : i32
        %add3A_348 = arith.constant 64 : i32
        %add3A_349 = arith.addi %mul3A_347, %add3A_348 : i32
        %swap3A_350 = arith.index_cast %add3A_349 : i32 to index
        %swap3A_351 = tpu.vector_load %arg7[%swap3A_350] {strides = array<i32>} : memref<4096xf32, #tpu.memory_space<vmem>>, vector<16xf32>,
        tpu.vector_store %arg7[%swap3A_350], %gather3A_311 {strides = array<i32>} : memref<4096xf32, #tpu.memory_space<vmem>>, vector<16xf32>,
        %mul3A_352 = arith.constant 256 : i32
        %mul3A_353 = arith.muli %scan3A_180, %mul3A_352 : i32
        %add3A_354 = arith.constant 80 : i32
        %add3A_355 = arith.addi %mul3A_353, %add3A_354 : i32
        %swap3A_356 = arith.index_cast %add3A_355 : i32 to index
        %swap3A_357 = tpu.vector_load %arg7[%swap3A_356] {strides = array<i32>} : memref<4096xf32, #tpu.memory_space<vmem>>, vector<16xf32>,
        tpu.vector_store %arg7[%swap3A_356], %gather3A_312 {strides = array<i32>} : memref<4096xf32, #tpu.memory_space<vmem>>, vector<16xf32>,
        %mul3A_358 = arith.constant 256 : i32
        %mul3A_359 = arith.muli %scan3A_180, %mul3A_358 : i32
        %add3A_360 = arith.constant 96 : i32
        %add3A_361 = arith.addi %mul3A_359, %add3A_360 : i32
        %swap3A_362 = arith.index_cast %add3A_361 : i32 to index
        %swap3A_363 = tpu.vector_load %arg7[%swap3A_362] {strides = array<i32>} : memref<4096xf32, #tpu.memory_space<vmem>>, vector<16xf32>,
        tpu.vector_store %arg7[%swap3A_362], %gather3A_313 {strides = array<i32>} : memref<4096xf32, #tpu.memory_space<vmem>>, vector<16xf32>,
        %mul3A_364 = arith.constant 256 : i32
        %mul3A_365 = arith.muli %scan3A_180, %mul3A_364 : i32
        %add3A_366 = arith.constant 112 : i32
        %add3A_367 = arith.addi %mul3A_365, %add3A_366 : i32
        %swap3A_368 = arith.index_cast %add3A_367 : i32 to index
        %swap3A_369 = tpu.vector_load %arg7[%swap3A_368] {strides = array<i32>} : memref<4096xf32, #tpu.memory_space<vmem>>, vector<16xf32>,
        tpu.vector_store %arg7[%swap3A_368], %gather3A_314 {strides = array<i32>} : memref<4096xf32, #tpu.memory_space<vmem>>, vector<16xf32>,
        %mul3A_370 = arith.constant 256 : i32
        %mul3A_371 = arith.muli %scan3A_180, %mul3A_370 : i32
        %add3A_372 = arith.constant 128 : i32
        %add3A_373 = arith.addi %mul3A_371, %add3A_372 : i32
        %swap3A_374 = arith.index_cast %add3A_373 : i32 to index
        %swap3A_375 = tpu.vector_load %arg7[%swap3A_374] {strides = array<i32>} : memref<4096xf32, #tpu.memory_space<vmem>>, vector<16xf32>,
        tpu.vector_store %arg7[%swap3A_374], %gather3A_315 {strides = array<i32>} : memref<4096xf32, #tpu.memory_space<vmem>>, vector<16xf32>,
        %mul3A_376 = arith.constant 256 : i32
        %mul3A_377 = arith.muli %scan3A_180, %mul3A_376 : i32
        %add3A_378 = arith.constant 144 : i32
        %add3A_379 = arith.addi %mul3A_377, %add3A_378 : i32
        %swap3A_380 = arith.index_cast %add3A_379 : i32 to index
        %swap3A_381 = tpu.vector_load %arg7[%swap3A_380] {strides = array<i32>} : memref<4096xf32, #tpu.memory_space<vmem>>, vector<16xf32>,
        tpu.vector_store %arg7[%swap3A_380], %gather3A_316 {strides = array<i32>} : memref<4096xf32, #tpu.memory_space<vmem>>, vector<16xf32>,
        %mul3A_382 = arith.constant 256 : i32
        %mul3A_383 = arith.muli %scan3A_180, %mul3A_382 : i32
        %add3A_384 = arith.constant 160 : i32
        %add3A_385 = arith.addi %mul3A_383, %add3A_384 : i32
        %swap3A_386 = arith.index_cast %add3A_385 : i32 to index
        %swap3A_387 = tpu.vector_load %arg7[%swap3A_386] {strides = array<i32>} : memref<4096xf32, #tpu.memory_space<vmem>>, vector<16xf32>,
        tpu.vector_store %arg7[%swap3A_386], %gather3A_317 {strides = array<i32>} : memref<4096xf32, #tpu.memory_space<vmem>>, vector<16xf32>,
        %mul3A_388 = arith.constant 256 : i32
        %mul3A_389 = arith.muli %scan3A_180, %mul3A_388 : i32
        %add3A_390 = arith.constant 176 : i32
        %add3A_391 = arith.addi %mul3A_389, %add3A_390 : i32
        %swap3A_392 = arith.index_cast %add3A_391 : i32 to index
        %swap3A_393 = tpu.vector_load %arg7[%swap3A_392] {strides = array<i32>} : memref<4096xf32, #tpu.memory_space<vmem>>, vector<16xf32>,
        tpu.vector_store %arg7[%swap3A_392], %gather3A_318 {strides = array<i32>} : memref<4096xf32, #tpu.memory_space<vmem>>, vector<16xf32>,
        %mul3A_394 = arith.constant 256 : i32
        %mul3A_395 = arith.muli %scan3A_180, %mul3A_394 : i32
        %add3A_396 = arith.constant 192 : i32
        %add3A_397 = arith.addi %mul3A_395, %add3A_396 : i32
        %swap3A_398 = arith.index_cast %add3A_397 : i32 to index
        %swap3A_399 = tpu.vector_load %arg7[%swap3A_398] {strides = array<i32>} : memref<4096xf32, #tpu.memory_space<vmem>>, vector<16xf32>,
        tpu.vector_store %arg7[%swap3A_398], %gather3A_319 {strides = array<i32>} : memref<4096xf32, #tpu.memory_space<vmem>>, vector<16xf32>,
        %mul3A_400 = arith.constant 256 : i32
        %mul3A_401 = arith.muli %scan3A_180, %mul3A_400 : i32
        %add3A_402 = arith.constant 208 : i32
        %add3A_403 = arith.addi %mul3A_401, %add3A_402 : i32
        %swap3A_404 = arith.index_cast %add3A_403 : i32 to index
        %swap3A_405 = tpu.vector_load %arg7[%swap3A_404] {strides = array<i32>} : memref<4096xf32, #tpu.memory_space<vmem>>, vector<16xf32>,
        tpu.vector_store %arg7[%swap3A_404], %gather3A_320 {strides = array<i32>} : memref<4096xf32, #tpu.memory_space<vmem>>, vector<16xf32>,
        %mul3A_406 = arith.constant 256 : i32
        %mul3A_407 = arith.muli %scan3A_180, %mul3A_406 : i32
        %add3A_408 = arith.constant 224 : i32
        %add3A_409 = arith.addi %mul3A_407, %add3A_408 : i32
        %swap3A_410 = arith.index_cast %add3A_409 : i32 to index
        %swap3A_411 = tpu.vector_load %arg7[%swap3A_410] {strides = array<i32>} : memref<4096xf32, #tpu.memory_space<vmem>>, vector<16xf32>,
        tpu.vector_store %arg7[%swap3A_410], %gather3A_321 {strides = array<i32>} : memref<4096xf32, #tpu.memory_space<vmem>>, vector<16xf32>,
        %mul3A_412 = arith.constant 256 : i32
        %mul3A_413 = arith.muli %scan3A_180, %mul3A_412 : i32
        %add3A_414 = arith.constant 240 : i32
        %add3A_415 = arith.addi %mul3A_413, %add3A_414 : i32
        %swap3A_416 = arith.index_cast %add3A_415 : i32 to index
        %swap3A_417 = tpu.vector_load %arg7[%swap3A_416] {strides = array<i32>} : memref<4096xf32, #tpu.memory_space<vmem>>, vector<16xf32>,
        tpu.vector_store %arg7[%swap3A_416], %gather3A_322 {strides = array<i32>} : memref<4096xf32, #tpu.memory_space<vmem>>, vector<16xf32>,
      }
      %scan3A_113 = arith.constant 16 : i32
      %dma_start3A_114 = arith.constant 0 : i32
      %dma_start3A_115 = tpu.memref_slice %arg4[%select_n3A_83, %select_n3A_99, %dma_start3A_114] : memref<26x16x16384xf32, #tpu.memory_space<hbm>> -> memref<1x1x4096xf32, #tpu.memory_space<hbm>>
      %dma_start3A_116 = tpu.memref_squeeze %dma_start3A_115 : memref<1x1x4096xf32, #tpu.memory_space<hbm>> -> memref<4096xf32, #tpu.memory_space<hbm>>
      %dma_start3A_117 = arith.constant 0 : i32
      %dma_start3A_118 = tpu.memref_slice %arg4[%select_n3A_83, %select_n3A_99, %dma_start3A_117] : memref<26x16x16384xf32, #tpu.memory_space<hbm>> -> memref<1x1x4096xf32, #tpu.memory_space<hbm>>
      %dma_start3A_119 = tpu.memref_squeeze %dma_start3A_118 : memref<1x1x4096xf32, #tpu.memory_space<hbm>> -> memref<4096xf32, #tpu.memory_space<hbm>>
      tpu.enqueue_dma source(%arg7 : memref<4096xf32, #tpu.memory_space<vmem>>) target(%dma_start3A_119 : memref<4096xf32, #tpu.memory_space<hbm>>) target_semaphore(%arg11 : memref<!tpu.dma_semaphore, #tpu.memory_space<semaphore_mem>>)
      %ge3A_120 = arith.constant 1 : i32
      %ge3A_121 = arith.cmpi sge, %scan3A_58, %ge3A_120 : i32
      %convert_element_type3A_122 = arith.extui %ge3A_121 : i1 to i32
      %cond3A_123 = arith.constant 0 : i32
      %cond3A_124 = arith.cmpi ne, %convert_element_type3A_122, %cond3A_123 : i32
      scf.if %cond3A_124 {
        %dma_wait3A_180 = arith.constant 4096 : i32
        %dma_wait3A_181 = tpu.memref_slice %arg4[%select_n3A_83, %select_n3A_99, %dma_wait3A_180] : memref<26x16x16384xf32, #tpu.memory_space<hbm>> -> memref<1x1x4096xf32, #tpu.memory_space<hbm>>
        %dma_wait3A_182 = tpu.memref_squeeze %dma_wait3A_181 : memref<1x1x4096xf32, #tpu.memory_space<hbm>> -> memref<4096xf32, #tpu.memory_space<hbm>>
        %dma_wait3A_183 = arith.constant 4096 : i32
        %dma_wait3A_184 = tpu.memref_slice %arg4[%select_n3A_83, %select_n3A_99, %dma_wait3A_183] : memref<26x16x16384xf32, #tpu.memory_space<hbm>> -> memref<1x1x4096xf32, #tpu.memory_space<hbm>>
        %dma_wait3A_185 = tpu.memref_squeeze %dma_wait3A_184 : memref<1x1x4096xf32, #tpu.memory_space<hbm>> -> memref<4096xf32, #tpu.memory_space<hbm>>
        tpu.wait_dma2 semaphore(%arg12 : memref<!tpu.dma_semaphore, #tpu.memory_space<semaphore_mem>>) src(%arg8 : memref<4096xf32, #tpu.memory_space<vmem>>) dst(%dma_wait3A_185 : memref<4096xf32, #tpu.memory_space<hbm>>)
      } else {
      }
      %scan3A_125 = arith.constant 0 : i32
      %scan3A_126 = arith.constant 0 : i32
      %scan3A_127 = arith.constant 16 : i32
      %scan3A_128 = arith.addi %scan3A_126, %scan3A_127 : i32
      %scan3A_129 = arith.constant 1 : i32
      scf.for %scan3A_180 = %scan3A_126 to %scan3A_128 step %scan3A_129  : i32 {
        %mul3A_181 = arith.constant 256 : i32
        %mul3A_182 = arith.muli %scan3A_180, %mul3A_181 : i32
        %add3A_183 = arith.constant 4096 : i32
        %add3A_184 = arith.addi %add3A_183, %mul3A_182 : i32
        %add3A_185 = arith.constant 0 : i32
        %add3A_186 = arith.addi %add3A_184, %add3A_185 : i32
        %get3A = arith.index_cast %add3A_186 : i32 to index
        %get3A_187 = tpu.vector_load %arg6[%get3A] {strides = array<i32>} : memref<16384xi32, #tpu.memory_space<vmem>>, vector<16xi32>,
        %mul3A_188 = arith.constant 256 : i32
        %mul3A_189 = arith.muli %scan3A_180, %mul3A_188 : i32
        %add3A_190 = arith.constant 4096 : i32
        %add3A_191 = arith.addi %add3A_190, %mul3A_189 : i32
        %add3A_192 = arith.constant 16 : i32
        %add3A_193 = arith.addi %add3A_191, %add3A_192 : i32
        %get3A_194 = arith.index_cast %add3A_193 : i32 to index
        %get3A_195 = tpu.vector_load %arg6[%get3A_194] {strides = array<i32>} : memref<16384xi32, #tpu.memory_space<vmem>>, vector<16xi32>,
        %mul3A_196 = arith.constant 256 : i32
        %mul3A_197 = arith.muli %scan3A_180, %mul3A_196 : i32
        %add3A_198 = arith.constant 4096 : i32
        %add3A_199 = arith.addi %add3A_198, %mul3A_197 : i32
        %add3A_200 = arith.constant 32 : i32
        %add3A_201 = arith.addi %add3A_199, %add3A_200 : i32
        %get3A_202 = arith.index_cast %add3A_201 : i32 to index
        %get3A_203 = tpu.vector_load %arg6[%get3A_202] {strides = array<i32>} : memref<16384xi32, #tpu.memory_space<vmem>>, vector<16xi32>,
        %mul3A_204 = arith.constant 256 : i32
        %mul3A_205 = arith.muli %scan3A_180, %mul3A_204 : i32
        %add3A_206 = arith.constant 4096 : i32
        %add3A_207 = arith.addi %add3A_206, %mul3A_205 : i32
        %add3A_208 = arith.constant 48 : i32
        %add3A_209 = arith.addi %add3A_207, %add3A_208 : i32
        %get3A_210 = arith.index_cast %add3A_209 : i32 to index
        %get3A_211 = tpu.vector_load %arg6[%get3A_210] {strides = array<i32>} : memref<16384xi32, #tpu.memory_space<vmem>>, vector<16xi32>,
        %mul3A_212 = arith.constant 256 : i32
        %mul3A_213 = arith.muli %scan3A_180, %mul3A_212 : i32
        %add3A_214 = arith.constant 4096 : i32
        %add3A_215 = arith.addi %add3A_214, %mul3A_213 : i32
        %add3A_216 = arith.constant 64 : i32
        %add3A_217 = arith.addi %add3A_215, %add3A_216 : i32
        %get3A_218 = arith.index_cast %add3A_217 : i32 to index
        %get3A_219 = tpu.vector_load %arg6[%get3A_218] {strides = array<i32>} : memref<16384xi32, #tpu.memory_space<vmem>>, vector<16xi32>,
        %mul3A_220 = arith.constant 256 : i32
        %mul3A_221 = arith.muli %scan3A_180, %mul3A_220 : i32
        %add3A_222 = arith.constant 4096 : i32
        %add3A_223 = arith.addi %add3A_222, %mul3A_221 : i32
        %add3A_224 = arith.constant 80 : i32
        %add3A_225 = arith.addi %add3A_223, %add3A_224 : i32
        %get3A_226 = arith.index_cast %add3A_225 : i32 to index
        %get3A_227 = tpu.vector_load %arg6[%get3A_226] {strides = array<i32>} : memref<16384xi32, #tpu.memory_space<vmem>>, vector<16xi32>,
        %mul3A_228 = arith.constant 256 : i32
        %mul3A_229 = arith.muli %scan3A_180, %mul3A_228 : i32
        %add3A_230 = arith.constant 4096 : i32
        %add3A_231 = arith.addi %add3A_230, %mul3A_229 : i32
        %add3A_232 = arith.constant 96 : i32
        %add3A_233 = arith.addi %add3A_231, %add3A_232 : i32
        %get3A_234 = arith.index_cast %add3A_233 : i32 to index
        %get3A_235 = tpu.vector_load %arg6[%get3A_234] {strides = array<i32>} : memref<16384xi32, #tpu.memory_space<vmem>>, vector<16xi32>,
        %mul3A_236 = arith.constant 256 : i32
        %mul3A_237 = arith.muli %scan3A_180, %mul3A_236 : i32
        %add3A_238 = arith.constant 4096 : i32
        %add3A_239 = arith.addi %add3A_238, %mul3A_237 : i32
        %add3A_240 = arith.constant 112 : i32
        %add3A_241 = arith.addi %add3A_239, %add3A_240 : i32
        %get3A_242 = arith.index_cast %add3A_241 : i32 to index
        %get3A_243 = tpu.vector_load %arg6[%get3A_242] {strides = array<i32>} : memref<16384xi32, #tpu.memory_space<vmem>>, vector<16xi32>,
        %mul3A_244 = arith.constant 256 : i32
        %mul3A_245 = arith.muli %scan3A_180, %mul3A_244 : i32
        %add3A_246 = arith.constant 4096 : i32
        %add3A_247 = arith.addi %add3A_246, %mul3A_245 : i32
        %add3A_248 = arith.constant 128 : i32
        %add3A_249 = arith.addi %add3A_247, %add3A_248 : i32
        %get3A_250 = arith.index_cast %add3A_249 : i32 to index
        %get3A_251 = tpu.vector_load %arg6[%get3A_250] {strides = array<i32>} : memref<16384xi32, #tpu.memory_space<vmem>>, vector<16xi32>,
        %mul3A_252 = arith.constant 256 : i32
        %mul3A_253 = arith.muli %scan3A_180, %mul3A_252 : i32
        %add3A_254 = arith.constant 4096 : i32
        %add3A_255 = arith.addi %add3A_254, %mul3A_253 : i32
        %add3A_256 = arith.constant 144 : i32
        %add3A_257 = arith.addi %add3A_255, %add3A_256 : i32
        %get3A_258 = arith.index_cast %add3A_257 : i32 to index
        %get3A_259 = tpu.vector_load %arg6[%get3A_258] {strides = array<i32>} : memref<16384xi32, #tpu.memory_space<vmem>>, vector<16xi32>,
        %mul3A_260 = arith.constant 256 : i32
        %mul3A_261 = arith.muli %scan3A_180, %mul3A_260 : i32
        %add3A_262 = arith.constant 4096 : i32
        %add3A_263 = arith.addi %add3A_262, %mul3A_261 : i32
        %add3A_264 = arith.constant 160 : i32
        %add3A_265 = arith.addi %add3A_263, %add3A_264 : i32
        %get3A_266 = arith.index_cast %add3A_265 : i32 to index
        %get3A_267 = tpu.vector_load %arg6[%get3A_266] {strides = array<i32>} : memref<16384xi32, #tpu.memory_space<vmem>>, vector<16xi32>,
        %mul3A_268 = arith.constant 256 : i32
        %mul3A_269 = arith.muli %scan3A_180, %mul3A_268 : i32
        %add3A_270 = arith.constant 4096 : i32
        %add3A_271 = arith.addi %add3A_270, %mul3A_269 : i32
        %add3A_272 = arith.constant 176 : i32
        %add3A_273 = arith.addi %add3A_271, %add3A_272 : i32
        %get3A_274 = arith.index_cast %add3A_273 : i32 to index
        %get3A_275 = tpu.vector_load %arg6[%get3A_274] {strides = array<i32>} : memref<16384xi32, #tpu.memory_space<vmem>>, vector<16xi32>,
        %mul3A_276 = arith.constant 256 : i32
        %mul3A_277 = arith.muli %scan3A_180, %mul3A_276 : i32
        %add3A_278 = arith.constant 4096 : i32
        %add3A_279 = arith.addi %add3A_278, %mul3A_277 : i32
        %add3A_280 = arith.constant 192 : i32
        %add3A_281 = arith.addi %add3A_279, %add3A_280 : i32
        %get3A_282 = arith.index_cast %add3A_281 : i32 to index
        %get3A_283 = tpu.vector_load %arg6[%get3A_282] {strides = array<i32>} : memref<16384xi32, #tpu.memory_space<vmem>>, vector<16xi32>,
        %mul3A_284 = arith.constant 256 : i32
        %mul3A_285 = arith.muli %scan3A_180, %mul3A_284 : i32
        %add3A_286 = arith.constant 4096 : i32
        %add3A_287 = arith.addi %add3A_286, %mul3A_285 : i32
        %add3A_288 = arith.constant 208 : i32
        %add3A_289 = arith.addi %add3A_287, %add3A_288 : i32
        %get3A_290 = arith.index_cast %add3A_289 : i32 to index
        %get3A_291 = tpu.vector_load %arg6[%get3A_290] {strides = array<i32>} : memref<16384xi32, #tpu.memory_space<vmem>>, vector<16xi32>,
        %mul3A_292 = arith.constant 256 : i32
        %mul3A_293 = arith.muli %scan3A_180, %mul3A_292 : i32
        %add3A_294 = arith.constant 4096 : i32
        %add3A_295 = arith.addi %add3A_294, %mul3A_293 : i32
        %add3A_296 = arith.constant 224 : i32
        %add3A_297 = arith.addi %add3A_295, %add3A_296 : i32
        %get3A_298 = arith.index_cast %add3A_297 : i32 to index
        %get3A_299 = tpu.vector_load %arg6[%get3A_298] {strides = array<i32>} : memref<16384xi32, #tpu.memory_space<vmem>>, vector<16xi32>,
        %mul3A_300 = arith.constant 256 : i32
        %mul3A_301 = arith.muli %scan3A_180, %mul3A_300 : i32
        %add3A_302 = arith.constant 4096 : i32
        %add3A_303 = arith.addi %add3A_302, %mul3A_301 : i32
        %add3A_304 = arith.constant 240 : i32
        %add3A_305 = arith.addi %add3A_303, %add3A_304 : i32
        %get3A_306 = arith.index_cast %add3A_305 : i32 to index
        %get3A_307 = tpu.vector_load %arg6[%get3A_306] {strides = array<i32>} : memref<16384xi32, #tpu.memory_space<vmem>>, vector<16xi32>,
        %gather3A = tpu.vector_load_idx %arg5[%get3A_187] : memref<100000xf32, #tpu.memory_space<vmem>>[vector<16xi32>], vector<16xf32>,
        %gather3A_308 = tpu.vector_load_idx %arg5[%get3A_195] : memref<100000xf32, #tpu.memory_space<vmem>>[vector<16xi32>], vector<16xf32>,
        %gather3A_309 = tpu.vector_load_idx %arg5[%get3A_203] : memref<100000xf32, #tpu.memory_space<vmem>>[vector<16xi32>], vector<16xf32>,
        %gather3A_310 = tpu.vector_load_idx %arg5[%get3A_211] : memref<100000xf32, #tpu.memory_space<vmem>>[vector<16xi32>], vector<16xf32>,
        %gather3A_311 = tpu.vector_load_idx %arg5[%get3A_219] : memref<100000xf32, #tpu.memory_space<vmem>>[vector<16xi32>], vector<16xf32>,
        %gather3A_312 = tpu.vector_load_idx %arg5[%get3A_227] : memref<100000xf32, #tpu.memory_space<vmem>>[vector<16xi32>], vector<16xf32>,
        %gather3A_313 = tpu.vector_load_idx %arg5[%get3A_235] : memref<100000xf32, #tpu.memory_space<vmem>>[vector<16xi32>], vector<16xf32>,
        %gather3A_314 = tpu.vector_load_idx %arg5[%get3A_243] : memref<100000xf32, #tpu.memory_space<vmem>>[vector<16xi32>], vector<16xf32>,
        %gather3A_315 = tpu.vector_load_idx %arg5[%get3A_251] : memref<100000xf32, #tpu.memory_space<vmem>>[vector<16xi32>], vector<16xf32>,
        %gather3A_316 = tpu.vector_load_idx %arg5[%get3A_259] : memref<100000xf32, #tpu.memory_space<vmem>>[vector<16xi32>], vector<16xf32>,
        %gather3A_317 = tpu.vector_load_idx %arg5[%get3A_267] : memref<100000xf32, #tpu.memory_space<vmem>>[vector<16xi32>], vector<16xf32>,
        %gather3A_318 = tpu.vector_load_idx %arg5[%get3A_275] : memref<100000xf32, #tpu.memory_space<vmem>>[vector<16xi32>], vector<16xf32>,
        %gather3A_319 = tpu.vector_load_idx %arg5[%get3A_283] : memref<100000xf32, #tpu.memory_space<vmem>>[vector<16xi32>], vector<16xf32>,
        %gather3A_320 = tpu.vector_load_idx %arg5[%get3A_291] : memref<100000xf32, #tpu.memory_space<vmem>>[vector<16xi32>], vector<16xf32>,
        %gather3A_321 = tpu.vector_load_idx %arg5[%get3A_299] : memref<100000xf32, #tpu.memory_space<vmem>>[vector<16xi32>], vector<16xf32>,
        %gather3A_322 = tpu.vector_load_idx %arg5[%get3A_307] : memref<100000xf32, #tpu.memory_space<vmem>>[vector<16xi32>], vector<16xf32>,
        %mul3A_323 = arith.constant 256 : i32
        %mul3A_324 = arith.muli %scan3A_180, %mul3A_323 : i32
        %add3A_325 = arith.constant 0 : i32
        %add3A_326 = arith.addi %mul3A_324, %add3A_325 : i32
        %swap3A = arith.index_cast %add3A_326 : i32 to index
        %swap3A_327 = tpu.vector_load %arg8[%swap3A] {strides = array<i32>} : memref<4096xf32, #tpu.memory_space<vmem>>, vector<16xf32>,
        tpu.vector_store %arg8[%swap3A], %gather3A {strides = array<i32>} : memref<4096xf32, #tpu.memory_space<vmem>>, vector<16xf32>,
        %mul3A_328 = arith.constant 256 : i32
        %mul3A_329 = arith.muli %scan3A_180, %mul3A_328 : i32
        %add3A_330 = arith.constant 16 : i32
        %add3A_331 = arith.addi %mul3A_329, %add3A_330 : i32
        %swap3A_332 = arith.index_cast %add3A_331 : i32 to index
        %swap3A_333 = tpu.vector_load %arg8[%swap3A_332] {strides = array<i32>} : memref<4096xf32, #tpu.memory_space<vmem>>, vector<16xf32>,
        tpu.vector_store %arg8[%swap3A_332], %gather3A_308 {strides = array<i32>} : memref<4096xf32, #tpu.memory_space<vmem>>, vector<16xf32>,
        %mul3A_334 = arith.constant 256 : i32
        %mul3A_335 = arith.muli %scan3A_180, %mul3A_334 : i32
        %add3A_336 = arith.constant 32 : i32
        %add3A_337 = arith.addi %mul3A_335, %add3A_336 : i32
        %swap3A_338 = arith.index_cast %add3A_337 : i32 to index
        %swap3A_339 = tpu.vector_load %arg8[%swap3A_338] {strides = array<i32>} : memref<4096xf32, #tpu.memory_space<vmem>>, vector<16xf32>,
        tpu.vector_store %arg8[%swap3A_338], %gather3A_309 {strides = array<i32>} : memref<4096xf32, #tpu.memory_space<vmem>>, vector<16xf32>,
        %mul3A_340 = arith.constant 256 : i32
        %mul3A_341 = arith.muli %scan3A_180, %mul3A_340 : i32
        %add3A_342 = arith.constant 48 : i32
        %add3A_343 = arith.addi %mul3A_341, %add3A_342 : i32
        %swap3A_344 = arith.index_cast %add3A_343 : i32 to index
        %swap3A_345 = tpu.vector_load %arg8[%swap3A_344] {strides = array<i32>} : memref<4096xf32, #tpu.memory_space<vmem>>, vector<16xf32>,
        tpu.vector_store %arg8[%swap3A_344], %gather3A_310 {strides = array<i32>} : memref<4096xf32, #tpu.memory_space<vmem>>, vector<16xf32>,
        %mul3A_346 = arith.constant 256 : i32
        %mul3A_347 = arith.muli %scan3A_180, %mul3A_346 : i32
        %add3A_348 = arith.constant 64 : i32
        %add3A_349 = arith.addi %mul3A_347, %add3A_348 : i32
        %swap3A_350 = arith.index_cast %add3A_349 : i32 to index
        %swap3A_351 = tpu.vector_load %arg8[%swap3A_350] {strides = array<i32>} : memref<4096xf32, #tpu.memory_space<vmem>>, vector<16xf32>,
        tpu.vector_store %arg8[%swap3A_350], %gather3A_311 {strides = array<i32>} : memref<4096xf32, #tpu.memory_space<vmem>>, vector<16xf32>,
        %mul3A_352 = arith.constant 256 : i32
        %mul3A_353 = arith.muli %scan3A_180, %mul3A_352 : i32
        %add3A_354 = arith.constant 80 : i32
        %add3A_355 = arith.addi %mul3A_353, %add3A_354 : i32
        %swap3A_356 = arith.index_cast %add3A_355 : i32 to index
        %swap3A_357 = tpu.vector_load %arg8[%swap3A_356] {strides = array<i32>} : memref<4096xf32, #tpu.memory_space<vmem>>, vector<16xf32>,
        tpu.vector_store %arg8[%swap3A_356], %gather3A_312 {strides = array<i32>} : memref<4096xf32, #tpu.memory_space<vmem>>, vector<16xf32>,
        %mul3A_358 = arith.constant 256 : i32
        %mul3A_359 = arith.muli %scan3A_180, %mul3A_358 : i32
        %add3A_360 = arith.constant 96 : i32
        %add3A_361 = arith.addi %mul3A_359, %add3A_360 : i32
        %swap3A_362 = arith.index_cast %add3A_361 : i32 to index
        %swap3A_363 = tpu.vector_load %arg8[%swap3A_362] {strides = array<i32>} : memref<4096xf32, #tpu.memory_space<vmem>>, vector<16xf32>,
        tpu.vector_store %arg8[%swap3A_362], %gather3A_313 {strides = array<i32>} : memref<4096xf32, #tpu.memory_space<vmem>>, vector<16xf32>,
        %mul3A_364 = arith.constant 256 : i32
        %mul3A_365 = arith.muli %scan3A_180, %mul3A_364 : i32
        %add3A_366 = arith.constant 112 : i32
        %add3A_367 = arith.addi %mul3A_365, %add3A_366 : i32
        %swap3A_368 = arith.index_cast %add3A_367 : i32 to index
        %swap3A_369 = tpu.vector_load %arg8[%swap3A_368] {strides = array<i32>} : memref<4096xf32, #tpu.memory_space<vmem>>, vector<16xf32>,
        tpu.vector_store %arg8[%swap3A_368], %gather3A_314 {strides = array<i32>} : memref<4096xf32, #tpu.memory_space<vmem>>, vector<16xf32>,
        %mul3A_370 = arith.constant 256 : i32
        %mul3A_371 = arith.muli %scan3A_180, %mul3A_370 : i32
        %add3A_372 = arith.constant 128 : i32
        %add3A_373 = arith.addi %mul3A_371, %add3A_372 : i32
        %swap3A_374 = arith.index_cast %add3A_373 : i32 to index
        %swap3A_375 = tpu.vector_load %arg8[%swap3A_374] {strides = array<i32>} : memref<4096xf32, #tpu.memory_space<vmem>>, vector<16xf32>,
        tpu.vector_store %arg8[%swap3A_374], %gather3A_315 {strides = array<i32>} : memref<4096xf32, #tpu.memory_space<vmem>>, vector<16xf32>,
        %mul3A_376 = arith.constant 256 : i32
        %mul3A_377 = arith.muli %scan3A_180, %mul3A_376 : i32
        %add3A_378 = arith.constant 144 : i32
        %add3A_379 = arith.addi %mul3A_377, %add3A_378 : i32
        %swap3A_380 = arith.index_cast %add3A_379 : i32 to index
        %swap3A_381 = tpu.vector_load %arg8[%swap3A_380] {strides = array<i32>} : memref<4096xf32, #tpu.memory_space<vmem>>, vector<16xf32>,
        tpu.vector_store %arg8[%swap3A_380], %gather3A_316 {strides = array<i32>} : memref<4096xf32, #tpu.memory_space<vmem>>, vector<16xf32>,
        %mul3A_382 = arith.constant 256 : i32
        %mul3A_383 = arith.muli %scan3A_180, %mul3A_382 : i32
        %add3A_384 = arith.constant 160 : i32
        %add3A_385 = arith.addi %mul3A_383, %add3A_384 : i32
        %swap3A_386 = arith.index_cast %add3A_385 : i32 to index
        %swap3A_387 = tpu.vector_load %arg8[%swap3A_386] {strides = array<i32>} : memref<4096xf32, #tpu.memory_space<vmem>>, vector<16xf32>,
        tpu.vector_store %arg8[%swap3A_386], %gather3A_317 {strides = array<i32>} : memref<4096xf32, #tpu.memory_space<vmem>>, vector<16xf32>,
        %mul3A_388 = arith.constant 256 : i32
        %mul3A_389 = arith.muli %scan3A_180, %mul3A_388 : i32
        %add3A_390 = arith.constant 176 : i32
        %add3A_391 = arith.addi %mul3A_389, %add3A_390 : i32
        %swap3A_392 = arith.index_cast %add3A_391 : i32 to index
        %swap3A_393 = tpu.vector_load %arg8[%swap3A_392] {strides = array<i32>} : memref<4096xf32, #tpu.memory_space<vmem>>, vector<16xf32>,
        tpu.vector_store %arg8[%swap3A_392], %gather3A_318 {strides = array<i32>} : memref<4096xf32, #tpu.memory_space<vmem>>, vector<16xf32>,
        %mul3A_394 = arith.constant 256 : i32
        %mul3A_395 = arith.muli %scan3A_180, %mul3A_394 : i32
        %add3A_396 = arith.constant 192 : i32
        %add3A_397 = arith.addi %mul3A_395, %add3A_396 : i32
        %swap3A_398 = arith.index_cast %add3A_397 : i32 to index
        %swap3A_399 = tpu.vector_load %arg8[%swap3A_398] {strides = array<i32>} : memref<4096xf32, #tpu.memory_space<vmem>>, vector<16xf32>,
        tpu.vector_store %arg8[%swap3A_398], %gather3A_319 {strides = array<i32>} : memref<4096xf32, #tpu.memory_space<vmem>>, vector<16xf32>,
        %mul3A_400 = arith.constant 256 : i32
        %mul3A_401 = arith.muli %scan3A_180, %mul3A_400 : i32
        %add3A_402 = arith.constant 208 : i32
        %add3A_403 = arith.addi %mul3A_401, %add3A_402 : i32
        %swap3A_404 = arith.index_cast %add3A_403 : i32 to index
        %swap3A_405 = tpu.vector_load %arg8[%swap3A_404] {strides = array<i32>} : memref<4096xf32, #tpu.memory_space<vmem>>, vector<16xf32>,
        tpu.vector_store %arg8[%swap3A_404], %gather3A_320 {strides = array<i32>} : memref<4096xf32, #tpu.memory_space<vmem>>, vector<16xf32>,
        %mul3A_406 = arith.constant 256 : i32
        %mul3A_407 = arith.muli %scan3A_180, %mul3A_406 : i32
        %add3A_408 = arith.constant 224 : i32
        %add3A_409 = arith.addi %mul3A_407, %add3A_408 : i32
        %swap3A_410 = arith.index_cast %add3A_409 : i32 to index
        %swap3A_411 = tpu.vector_load %arg8[%swap3A_410] {strides = array<i32>} : memref<4096xf32, #tpu.memory_space<vmem>>, vector<16xf32>,
        tpu.vector_store %arg8[%swap3A_410], %gather3A_321 {strides = array<i32>} : memref<4096xf32, #tpu.memory_space<vmem>>, vector<16xf32>,
        %mul3A_412 = arith.constant 256 : i32
        %mul3A_413 = arith.muli %scan3A_180, %mul3A_412 : i32
        %add3A_414 = arith.constant 240 : i32
        %add3A_415 = arith.addi %mul3A_413, %add3A_414 : i32
        %swap3A_416 = arith.index_cast %add3A_415 : i32 to index
        %swap3A_417 = tpu.vector_load %arg8[%swap3A_416] {strides = array<i32>} : memref<4096xf32, #tpu.memory_space<vmem>>, vector<16xf32>,
        tpu.vector_store %arg8[%swap3A_416], %gather3A_322 {strides = array<i32>} : memref<4096xf32, #tpu.memory_space<vmem>>, vector<16xf32>,
      }
      %scan3A_130 = arith.constant 16 : i32
      %dma_start3A_131 = arith.constant 4096 : i32
      %dma_start3A_132 = tpu.memref_slice %arg4[%select_n3A_83, %select_n3A_99, %dma_start3A_131] : memref<26x16x16384xf32, #tpu.memory_space<hbm>> -> memref<1x1x4096xf32, #tpu.memory_space<hbm>>
      %dma_start3A_133 = tpu.memref_squeeze %dma_start3A_132 : memref<1x1x4096xf32, #tpu.memory_space<hbm>> -> memref<4096xf32, #tpu.memory_space<hbm>>
      %dma_start3A_134 = arith.constant 4096 : i32
      %dma_start3A_135 = tpu.memref_slice %arg4[%select_n3A_83, %select_n3A_99, %dma_start3A_134] : memref<26x16x16384xf32, #tpu.memory_space<hbm>> -> memref<1x1x4096xf32, #tpu.memory_space<hbm>>
      %dma_start3A_136 = tpu.memref_squeeze %dma_start3A_135 : memref<1x1x4096xf32, #tpu.memory_space<hbm>> -> memref<4096xf32, #tpu.memory_space<hbm>>
      tpu.enqueue_dma source(%arg8 : memref<4096xf32, #tpu.memory_space<vmem>>) target(%dma_start3A_136 : memref<4096xf32, #tpu.memory_space<hbm>>) target_semaphore(%arg12 : memref<!tpu.dma_semaphore, #tpu.memory_space<semaphore_mem>>)
      %dma_wait3A_137 = arith.constant 8192 : i32
      %dma_wait3A_138 = tpu.memref_slice %arg4[%select_n3A_83, %select_n3A_99, %dma_wait3A_137] : memref<26x16x16384xf32, #tpu.memory_space<hbm>> -> memref<1x1x4096xf32, #tpu.memory_space<hbm>>
      %dma_wait3A_139 = tpu.memref_squeeze %dma_wait3A_138 : memref<1x1x4096xf32, #tpu.memory_space<hbm>> -> memref<4096xf32, #tpu.memory_space<hbm>>
      %dma_wait3A_140 = arith.constant 8192 : i32
      %dma_wait3A_141 = tpu.memref_slice %arg4[%select_n3A_83, %select_n3A_99, %dma_wait3A_140] : memref<26x16x16384xf32, #tpu.memory_space<hbm>> -> memref<1x1x4096xf32, #tpu.memory_space<hbm>>
      %dma_wait3A_142 = tpu.memref_squeeze %dma_wait3A_141 : memref<1x1x4096xf32, #tpu.memory_space<hbm>> -> memref<4096xf32, #tpu.memory_space<hbm>>
      tpu.wait_dma2 semaphore(%arg11 : memref<!tpu.dma_semaphore, #tpu.memory_space<semaphore_mem>>) src(%arg7 : memref<4096xf32, #tpu.memory_space<vmem>>) dst(%dma_wait3A_142 : memref<4096xf32, #tpu.memory_space<hbm>>)
      %scan3A_143 = arith.constant 0 : i32
      %scan3A_144 = arith.constant 0 : i32
      %scan3A_145 = arith.constant 16 : i32
      %scan3A_146 = arith.addi %scan3A_144, %scan3A_145 : i32
      %scan3A_147 = arith.constant 1 : i32
      scf.for %scan3A_180 = %scan3A_144 to %scan3A_146 step %scan3A_147  : i32 {
        %mul3A_181 = arith.constant 256 : i32
        %mul3A_182 = arith.muli %scan3A_180, %mul3A_181 : i32
        %add3A_183 = arith.constant 8192 : i32
        %add3A_184 = arith.addi %add3A_183, %mul3A_182 : i32
        %add3A_185 = arith.constant 0 : i32
        %add3A_186 = arith.addi %add3A_184, %add3A_185 : i32
        %get3A = arith.index_cast %add3A_186 : i32 to index
        %get3A_187 = tpu.vector_load %arg6[%get3A] {strides = array<i32>} : memref<16384xi32, #tpu.memory_space<vmem>>, vector<16xi32>,
        %mul3A_188 = arith.constant 256 : i32
        %mul3A_189 = arith.muli %scan3A_180, %mul3A_188 : i32
        %add3A_190 = arith.constant 8192 : i32
        %add3A_191 = arith.addi %add3A_190, %mul3A_189 : i32
        %add3A_192 = arith.constant 16 : i32
        %add3A_193 = arith.addi %add3A_191, %add3A_192 : i32
        %get3A_194 = arith.index_cast %add3A_193 : i32 to index
        %get3A_195 = tpu.vector_load %arg6[%get3A_194] {strides = array<i32>} : memref<16384xi32, #tpu.memory_space<vmem>>, vector<16xi32>,
        %mul3A_196 = arith.constant 256 : i32
        %mul3A_197 = arith.muli %scan3A_180, %mul3A_196 : i32
        %add3A_198 = arith.constant 8192 : i32
        %add3A_199 = arith.addi %add3A_198, %mul3A_197 : i32
        %add3A_200 = arith.constant 32 : i32
        %add3A_201 = arith.addi %add3A_199, %add3A_200 : i32
        %get3A_202 = arith.index_cast %add3A_201 : i32 to index
        %get3A_203 = tpu.vector_load %arg6[%get3A_202] {strides = array<i32>} : memref<16384xi32, #tpu.memory_space<vmem>>, vector<16xi32>,
        %mul3A_204 = arith.constant 256 : i32
        %mul3A_205 = arith.muli %scan3A_180, %mul3A_204 : i32
        %add3A_206 = arith.constant 8192 : i32
        %add3A_207 = arith.addi %add3A_206, %mul3A_205 : i32
        %add3A_208 = arith.constant 48 : i32
        %add3A_209 = arith.addi %add3A_207, %add3A_208 : i32
        %get3A_210 = arith.index_cast %add3A_209 : i32 to index
        %get3A_211 = tpu.vector_load %arg6[%get3A_210] {strides = array<i32>} : memref<16384xi32, #tpu.memory_space<vmem>>, vector<16xi32>,
        %mul3A_212 = arith.constant 256 : i32
        %mul3A_213 = arith.muli %scan3A_180, %mul3A_212 : i32
        %add3A_214 = arith.constant 8192 : i32
        %add3A_215 = arith.addi %add3A_214, %mul3A_213 : i32
        %add3A_216 = arith.constant 64 : i32
        %add3A_217 = arith.addi %add3A_215, %add3A_216 : i32
        %get3A_218 = arith.index_cast %add3A_217 : i32 to index
        %get3A_219 = tpu.vector_load %arg6[%get3A_218] {strides = array<i32>} : memref<16384xi32, #tpu.memory_space<vmem>>, vector<16xi32>,
        %mul3A_220 = arith.constant 256 : i32
        %mul3A_221 = arith.muli %scan3A_180, %mul3A_220 : i32
        %add3A_222 = arith.constant 8192 : i32
        %add3A_223 = arith.addi %add3A_222, %mul3A_221 : i32
        %add3A_224 = arith.constant 80 : i32
        %add3A_225 = arith.addi %add3A_223, %add3A_224 : i32
        %get3A_226 = arith.index_cast %add3A_225 : i32 to index
        %get3A_227 = tpu.vector_load %arg6[%get3A_226] {strides = array<i32>} : memref<16384xi32, #tpu.memory_space<vmem>>, vector<16xi32>,
        %mul3A_228 = arith.constant 256 : i32
        %mul3A_229 = arith.muli %scan3A_180, %mul3A_228 : i32
        %add3A_230 = arith.constant 8192 : i32
        %add3A_231 = arith.addi %add3A_230, %mul3A_229 : i32
        %add3A_232 = arith.constant 96 : i32
        %add3A_233 = arith.addi %add3A_231, %add3A_232 : i32
        %get3A_234 = arith.index_cast %add3A_233 : i32 to index
        %get3A_235 = tpu.vector_load %arg6[%get3A_234] {strides = array<i32>} : memref<16384xi32, #tpu.memory_space<vmem>>, vector<16xi32>,
        %mul3A_236 = arith.constant 256 : i32
        %mul3A_237 = arith.muli %scan3A_180, %mul3A_236 : i32
        %add3A_238 = arith.constant 8192 : i32
        %add3A_239 = arith.addi %add3A_238, %mul3A_237 : i32
        %add3A_240 = arith.constant 112 : i32
        %add3A_241 = arith.addi %add3A_239, %add3A_240 : i32
        %get3A_242 = arith.index_cast %add3A_241 : i32 to index
        %get3A_243 = tpu.vector_load %arg6[%get3A_242] {strides = array<i32>} : memref<16384xi32, #tpu.memory_space<vmem>>, vector<16xi32>,
        %mul3A_244 = arith.constant 256 : i32
        %mul3A_245 = arith.muli %scan3A_180, %mul3A_244 : i32
        %add3A_246 = arith.constant 8192 : i32
        %add3A_247 = arith.addi %add3A_246, %mul3A_245 : i32
        %add3A_248 = arith.constant 128 : i32
        %add3A_249 = arith.addi %add3A_247, %add3A_248 : i32
        %get3A_250 = arith.index_cast %add3A_249 : i32 to index
        %get3A_251 = tpu.vector_load %arg6[%get3A_250] {strides = array<i32>} : memref<16384xi32, #tpu.memory_space<vmem>>, vector<16xi32>,
        %mul3A_252 = arith.constant 256 : i32
        %mul3A_253 = arith.muli %scan3A_180, %mul3A_252 : i32
        %add3A_254 = arith.constant 8192 : i32
        %add3A_255 = arith.addi %add3A_254, %mul3A_253 : i32
        %add3A_256 = arith.constant 144 : i32
        %add3A_257 = arith.addi %add3A_255, %add3A_256 : i32
        %get3A_258 = arith.index_cast %add3A_257 : i32 to index
        %get3A_259 = tpu.vector_load %arg6[%get3A_258] {strides = array<i32>} : memref<16384xi32, #tpu.memory_space<vmem>>, vector<16xi32>,
        %mul3A_260 = arith.constant 256 : i32
        %mul3A_261 = arith.muli %scan3A_180, %mul3A_260 : i32
        %add3A_262 = arith.constant 8192 : i32
        %add3A_263 = arith.addi %add3A_262, %mul3A_261 : i32
        %add3A_264 = arith.constant 160 : i32
        %add3A_265 = arith.addi %add3A_263, %add3A_264 : i32
        %get3A_266 = arith.index_cast %add3A_265 : i32 to index
        %get3A_267 = tpu.vector_load %arg6[%get3A_266] {strides = array<i32>} : memref<16384xi32, #tpu.memory_space<vmem>>, vector<16xi32>,
        %mul3A_268 = arith.constant 256 : i32
        %mul3A_269 = arith.muli %scan3A_180, %mul3A_268 : i32
        %add3A_270 = arith.constant 8192 : i32
        %add3A_271 = arith.addi %add3A_270, %mul3A_269 : i32
        %add3A_272 = arith.constant 176 : i32
        %add3A_273 = arith.addi %add3A_271, %add3A_272 : i32
        %get3A_274 = arith.index_cast %add3A_273 : i32 to index
        %get3A_275 = tpu.vector_load %arg6[%get3A_274] {strides = array<i32>} : memref<16384xi32, #tpu.memory_space<vmem>>, vector<16xi32>,
        %mul3A_276 = arith.constant 256 : i32
        %mul3A_277 = arith.muli %scan3A_180, %mul3A_276 : i32
        %add3A_278 = arith.constant 8192 : i32
        %add3A_279 = arith.addi %add3A_278, %mul3A_277 : i32
        %add3A_280 = arith.constant 192 : i32
        %add3A_281 = arith.addi %add3A_279, %add3A_280 : i32
        %get3A_282 = arith.index_cast %add3A_281 : i32 to index
        %get3A_283 = tpu.vector_load %arg6[%get3A_282] {strides = array<i32>} : memref<16384xi32, #tpu.memory_space<vmem>>, vector<16xi32>,
        %mul3A_284 = arith.constant 256 : i32
        %mul3A_285 = arith.muli %scan3A_180, %mul3A_284 : i32
        %add3A_286 = arith.constant 8192 : i32
        %add3A_287 = arith.addi %add3A_286, %mul3A_285 : i32
        %add3A_288 = arith.constant 208 : i32
        %add3A_289 = arith.addi %add3A_287, %add3A_288 : i32
        %get3A_290 = arith.index_cast %add3A_289 : i32 to index
        %get3A_291 = tpu.vector_load %arg6[%get3A_290] {strides = array<i32>} : memref<16384xi32, #tpu.memory_space<vmem>>, vector<16xi32>,
        %mul3A_292 = arith.constant 256 : i32
        %mul3A_293 = arith.muli %scan3A_180, %mul3A_292 : i32
        %add3A_294 = arith.constant 8192 : i32
        %add3A_295 = arith.addi %add3A_294, %mul3A_293 : i32
        %add3A_296 = arith.constant 224 : i32
        %add3A_297 = arith.addi %add3A_295, %add3A_296 : i32
        %get3A_298 = arith.index_cast %add3A_297 : i32 to index
        %get3A_299 = tpu.vector_load %arg6[%get3A_298] {strides = array<i32>} : memref<16384xi32, #tpu.memory_space<vmem>>, vector<16xi32>,
        %mul3A_300 = arith.constant 256 : i32
        %mul3A_301 = arith.muli %scan3A_180, %mul3A_300 : i32
        %add3A_302 = arith.constant 8192 : i32
        %add3A_303 = arith.addi %add3A_302, %mul3A_301 : i32
        %add3A_304 = arith.constant 240 : i32
        %add3A_305 = arith.addi %add3A_303, %add3A_304 : i32
        %get3A_306 = arith.index_cast %add3A_305 : i32 to index
        %get3A_307 = tpu.vector_load %arg6[%get3A_306] {strides = array<i32>} : memref<16384xi32, #tpu.memory_space<vmem>>, vector<16xi32>,
        %gather3A = tpu.vector_load_idx %arg5[%get3A_187] : memref<100000xf32, #tpu.memory_space<vmem>>[vector<16xi32>], vector<16xf32>,
        %gather3A_308 = tpu.vector_load_idx %arg5[%get3A_195] : memref<100000xf32, #tpu.memory_space<vmem>>[vector<16xi32>], vector<16xf32>,
        %gather3A_309 = tpu.vector_load_idx %arg5[%get3A_203] : memref<100000xf32, #tpu.memory_space<vmem>>[vector<16xi32>], vector<16xf32>,
        %gather3A_310 = tpu.vector_load_idx %arg5[%get3A_211] : memref<100000xf32, #tpu.memory_space<vmem>>[vector<16xi32>], vector<16xf32>,
        %gather3A_311 = tpu.vector_load_idx %arg5[%get3A_219] : memref<100000xf32, #tpu.memory_space<vmem>>[vector<16xi32>], vector<16xf32>,
        %gather3A_312 = tpu.vector_load_idx %arg5[%get3A_227] : memref<100000xf32, #tpu.memory_space<vmem>>[vector<16xi32>], vector<16xf32>,
        %gather3A_313 = tpu.vector_load_idx %arg5[%get3A_235] : memref<100000xf32, #tpu.memory_space<vmem>>[vector<16xi32>], vector<16xf32>,
        %gather3A_314 = tpu.vector_load_idx %arg5[%get3A_243] : memref<100000xf32, #tpu.memory_space<vmem>>[vector<16xi32>], vector<16xf32>,
        %gather3A_315 = tpu.vector_load_idx %arg5[%get3A_251] : memref<100000xf32, #tpu.memory_space<vmem>>[vector<16xi32>], vector<16xf32>,
        %gather3A_316 = tpu.vector_load_idx %arg5[%get3A_259] : memref<100000xf32, #tpu.memory_space<vmem>>[vector<16xi32>], vector<16xf32>,
        %gather3A_317 = tpu.vector_load_idx %arg5[%get3A_267] : memref<100000xf32, #tpu.memory_space<vmem>>[vector<16xi32>], vector<16xf32>,
        %gather3A_318 = tpu.vector_load_idx %arg5[%get3A_275] : memref<100000xf32, #tpu.memory_space<vmem>>[vector<16xi32>], vector<16xf32>,
        %gather3A_319 = tpu.vector_load_idx %arg5[%get3A_283] : memref<100000xf32, #tpu.memory_space<vmem>>[vector<16xi32>], vector<16xf32>,
        %gather3A_320 = tpu.vector_load_idx %arg5[%get3A_291] : memref<100000xf32, #tpu.memory_space<vmem>>[vector<16xi32>], vector<16xf32>,
        %gather3A_321 = tpu.vector_load_idx %arg5[%get3A_299] : memref<100000xf32, #tpu.memory_space<vmem>>[vector<16xi32>], vector<16xf32>,
        %gather3A_322 = tpu.vector_load_idx %arg5[%get3A_307] : memref<100000xf32, #tpu.memory_space<vmem>>[vector<16xi32>], vector<16xf32>,
        %mul3A_323 = arith.constant 256 : i32
        %mul3A_324 = arith.muli %scan3A_180, %mul3A_323 : i32
        %add3A_325 = arith.constant 0 : i32
        %add3A_326 = arith.addi %mul3A_324, %add3A_325 : i32
        %swap3A = arith.index_cast %add3A_326 : i32 to index
        %swap3A_327 = tpu.vector_load %arg7[%swap3A] {strides = array<i32>} : memref<4096xf32, #tpu.memory_space<vmem>>, vector<16xf32>,
        tpu.vector_store %arg7[%swap3A], %gather3A {strides = array<i32>} : memref<4096xf32, #tpu.memory_space<vmem>>, vector<16xf32>,
        %mul3A_328 = arith.constant 256 : i32
        %mul3A_329 = arith.muli %scan3A_180, %mul3A_328 : i32
        %add3A_330 = arith.constant 16 : i32
        %add3A_331 = arith.addi %mul3A_329, %add3A_330 : i32
        %swap3A_332 = arith.index_cast %add3A_331 : i32 to index
        %swap3A_333 = tpu.vector_load %arg7[%swap3A_332] {strides = array<i32>} : memref<4096xf32, #tpu.memory_space<vmem>>, vector<16xf32>,
        tpu.vector_store %arg7[%swap3A_332], %gather3A_308 {strides = array<i32>} : memref<4096xf32, #tpu.memory_space<vmem>>, vector<16xf32>,
        %mul3A_334 = arith.constant 256 : i32
        %mul3A_335 = arith.muli %scan3A_180, %mul3A_334 : i32
        %add3A_336 = arith.constant 32 : i32
        %add3A_337 = arith.addi %mul3A_335, %add3A_336 : i32
        %swap3A_338 = arith.index_cast %add3A_337 : i32 to index
        %swap3A_339 = tpu.vector_load %arg7[%swap3A_338] {strides = array<i32>} : memref<4096xf32, #tpu.memory_space<vmem>>, vector<16xf32>,
        tpu.vector_store %arg7[%swap3A_338], %gather3A_309 {strides = array<i32>} : memref<4096xf32, #tpu.memory_space<vmem>>, vector<16xf32>,
        %mul3A_340 = arith.constant 256 : i32
        %mul3A_341 = arith.muli %scan3A_180, %mul3A_340 : i32
        %add3A_342 = arith.constant 48 : i32
        %add3A_343 = arith.addi %mul3A_341, %add3A_342 : i32
        %swap3A_344 = arith.index_cast %add3A_343 : i32 to index
        %swap3A_345 = tpu.vector_load %arg7[%swap3A_344] {strides = array<i32>} : memref<4096xf32, #tpu.memory_space<vmem>>, vector<16xf32>,
        tpu.vector_store %arg7[%swap3A_344], %gather3A_310 {strides = array<i32>} : memref<4096xf32, #tpu.memory_space<vmem>>, vector<16xf32>,
        %mul3A_346 = arith.constant 256 : i32
        %mul3A_347 = arith.muli %scan3A_180, %mul3A_346 : i32
        %add3A_348 = arith.constant 64 : i32
        %add3A_349 = arith.addi %mul3A_347, %add3A_348 : i32
        %swap3A_350 = arith.index_cast %add3A_349 : i32 to index
        %swap3A_351 = tpu.vector_load %arg7[%swap3A_350] {strides = array<i32>} : memref<4096xf32, #tpu.memory_space<vmem>>, vector<16xf32>,
        tpu.vector_store %arg7[%swap3A_350], %gather3A_311 {strides = array<i32>} : memref<4096xf32, #tpu.memory_space<vmem>>, vector<16xf32>,
        %mul3A_352 = arith.constant 256 : i32
        %mul3A_353 = arith.muli %scan3A_180, %mul3A_352 : i32
        %add3A_354 = arith.constant 80 : i32
        %add3A_355 = arith.addi %mul3A_353, %add3A_354 : i32
        %swap3A_356 = arith.index_cast %add3A_355 : i32 to index
        %swap3A_357 = tpu.vector_load %arg7[%swap3A_356] {strides = array<i32>} : memref<4096xf32, #tpu.memory_space<vmem>>, vector<16xf32>,
        tpu.vector_store %arg7[%swap3A_356], %gather3A_312 {strides = array<i32>} : memref<4096xf32, #tpu.memory_space<vmem>>, vector<16xf32>,
        %mul3A_358 = arith.constant 256 : i32
        %mul3A_359 = arith.muli %scan3A_180, %mul3A_358 : i32
        %add3A_360 = arith.constant 96 : i32
        %add3A_361 = arith.addi %mul3A_359, %add3A_360 : i32
        %swap3A_362 = arith.index_cast %add3A_361 : i32 to index
        %swap3A_363 = tpu.vector_load %arg7[%swap3A_362] {strides = array<i32>} : memref<4096xf32, #tpu.memory_space<vmem>>, vector<16xf32>,
        tpu.vector_store %arg7[%swap3A_362], %gather3A_313 {strides = array<i32>} : memref<4096xf32, #tpu.memory_space<vmem>>, vector<16xf32>,
        %mul3A_364 = arith.constant 256 : i32
        %mul3A_365 = arith.muli %scan3A_180, %mul3A_364 : i32
        %add3A_366 = arith.constant 112 : i32
        %add3A_367 = arith.addi %mul3A_365, %add3A_366 : i32
        %swap3A_368 = arith.index_cast %add3A_367 : i32 to index
        %swap3A_369 = tpu.vector_load %arg7[%swap3A_368] {strides = array<i32>} : memref<4096xf32, #tpu.memory_space<vmem>>, vector<16xf32>,
        tpu.vector_store %arg7[%swap3A_368], %gather3A_314 {strides = array<i32>} : memref<4096xf32, #tpu.memory_space<vmem>>, vector<16xf32>,
        %mul3A_370 = arith.constant 256 : i32
        %mul3A_371 = arith.muli %scan3A_180, %mul3A_370 : i32
        %add3A_372 = arith.constant 128 : i32
        %add3A_373 = arith.addi %mul3A_371, %add3A_372 : i32
        %swap3A_374 = arith.index_cast %add3A_373 : i32 to index
        %swap3A_375 = tpu.vector_load %arg7[%swap3A_374] {strides = array<i32>} : memref<4096xf32, #tpu.memory_space<vmem>>, vector<16xf32>,
        tpu.vector_store %arg7[%swap3A_374], %gather3A_315 {strides = array<i32>} : memref<4096xf32, #tpu.memory_space<vmem>>, vector<16xf32>,
        %mul3A_376 = arith.constant 256 : i32
        %mul3A_377 = arith.muli %scan3A_180, %mul3A_376 : i32
        %add3A_378 = arith.constant 144 : i32
        %add3A_379 = arith.addi %mul3A_377, %add3A_378 : i32
        %swap3A_380 = arith.index_cast %add3A_379 : i32 to index
        %swap3A_381 = tpu.vector_load %arg7[%swap3A_380] {strides = array<i32>} : memref<4096xf32, #tpu.memory_space<vmem>>, vector<16xf32>,
        tpu.vector_store %arg7[%swap3A_380], %gather3A_316 {strides = array<i32>} : memref<4096xf32, #tpu.memory_space<vmem>>, vector<16xf32>,
        %mul3A_382 = arith.constant 256 : i32
        %mul3A_383 = arith.muli %scan3A_180, %mul3A_382 : i32
        %add3A_384 = arith.constant 160 : i32
        %add3A_385 = arith.addi %mul3A_383, %add3A_384 : i32
        %swap3A_386 = arith.index_cast %add3A_385 : i32 to index
        %swap3A_387 = tpu.vector_load %arg7[%swap3A_386] {strides = array<i32>} : memref<4096xf32, #tpu.memory_space<vmem>>, vector<16xf32>,
        tpu.vector_store %arg7[%swap3A_386], %gather3A_317 {strides = array<i32>} : memref<4096xf32, #tpu.memory_space<vmem>>, vector<16xf32>,
        %mul3A_388 = arith.constant 256 : i32
        %mul3A_389 = arith.muli %scan3A_180, %mul3A_388 : i32
        %add3A_390 = arith.constant 176 : i32
        %add3A_391 = arith.addi %mul3A_389, %add3A_390 : i32
        %swap3A_392 = arith.index_cast %add3A_391 : i32 to index
        %swap3A_393 = tpu.vector_load %arg7[%swap3A_392] {strides = array<i32>} : memref<4096xf32, #tpu.memory_space<vmem>>, vector<16xf32>,
        tpu.vector_store %arg7[%swap3A_392], %gather3A_318 {strides = array<i32>} : memref<4096xf32, #tpu.memory_space<vmem>>, vector<16xf32>,
        %mul3A_394 = arith.constant 256 : i32
        %mul3A_395 = arith.muli %scan3A_180, %mul3A_394 : i32
        %add3A_396 = arith.constant 192 : i32
        %add3A_397 = arith.addi %mul3A_395, %add3A_396 : i32
        %swap3A_398 = arith.index_cast %add3A_397 : i32 to index
        %swap3A_399 = tpu.vector_load %arg7[%swap3A_398] {strides = array<i32>} : memref<4096xf32, #tpu.memory_space<vmem>>, vector<16xf32>,
        tpu.vector_store %arg7[%swap3A_398], %gather3A_319 {strides = array<i32>} : memref<4096xf32, #tpu.memory_space<vmem>>, vector<16xf32>,
        %mul3A_400 = arith.constant 256 : i32
        %mul3A_401 = arith.muli %scan3A_180, %mul3A_400 : i32
        %add3A_402 = arith.constant 208 : i32
        %add3A_403 = arith.addi %mul3A_401, %add3A_402 : i32
        %swap3A_404 = arith.index_cast %add3A_403 : i32 to index
        %swap3A_405 = tpu.vector_load %arg7[%swap3A_404] {strides = array<i32>} : memref<4096xf32, #tpu.memory_space<vmem>>, vector<16xf32>,
        tpu.vector_store %arg7[%swap3A_404], %gather3A_320 {strides = array<i32>} : memref<4096xf32, #tpu.memory_space<vmem>>, vector<16xf32>,
        %mul3A_406 = arith.constant 256 : i32
        %mul3A_407 = arith.muli %scan3A_180, %mul3A_406 : i32
        %add3A_408 = arith.constant 224 : i32
        %add3A_409 = arith.addi %mul3A_407, %add3A_408 : i32
        %swap3A_410 = arith.index_cast %add3A_409 : i32 to index
        %swap3A_411 = tpu.vector_load %arg7[%swap3A_410] {strides = array<i32>} : memref<4096xf32, #tpu.memory_space<vmem>>, vector<16xf32>,
        tpu.vector_store %arg7[%swap3A_410], %gather3A_321 {strides = array<i32>} : memref<4096xf32, #tpu.memory_space<vmem>>, vector<16xf32>,
        %mul3A_412 = arith.constant 256 : i32
        %mul3A_413 = arith.muli %scan3A_180, %mul3A_412 : i32
        %add3A_414 = arith.constant 240 : i32
        %add3A_415 = arith.addi %mul3A_413, %add3A_414 : i32
        %swap3A_416 = arith.index_cast %add3A_415 : i32 to index
        %swap3A_417 = tpu.vector_load %arg7[%swap3A_416] {strides = array<i32>} : memref<4096xf32, #tpu.memory_space<vmem>>, vector<16xf32>,
        tpu.vector_store %arg7[%swap3A_416], %gather3A_322 {strides = array<i32>} : memref<4096xf32, #tpu.memory_space<vmem>>, vector<16xf32>,
      }
      %scan3A_148 = arith.constant 16 : i32
      %dma_start3A_149 = arith.constant 8192 : i32
      %dma_start3A_150 = tpu.memref_slice %arg4[%select_n3A_83, %select_n3A_99, %dma_start3A_149] : memref<26x16x16384xf32, #tpu.memory_space<hbm>> -> memref<1x1x4096xf32, #tpu.memory_space<hbm>>
      %dma_start3A_151 = tpu.memref_squeeze %dma_start3A_150 : memref<1x1x4096xf32, #tpu.memory_space<hbm>> -> memref<4096xf32, #tpu.memory_space<hbm>>
      %dma_start3A_152 = arith.constant 8192 : i32
      %dma_start3A_153 = tpu.memref_slice %arg4[%select_n3A_83, %select_n3A_99, %dma_start3A_152] : memref<26x16x16384xf32, #tpu.memory_space<hbm>> -> memref<1x1x4096xf32, #tpu.memory_space<hbm>>
      %dma_start3A_154 = tpu.memref_squeeze %dma_start3A_153 : memref<1x1x4096xf32, #tpu.memory_space<hbm>> -> memref<4096xf32, #tpu.memory_space<hbm>>
      tpu.enqueue_dma source(%arg7 : memref<4096xf32, #tpu.memory_space<vmem>>) target(%dma_start3A_154 : memref<4096xf32, #tpu.memory_space<hbm>>) target_semaphore(%arg11 : memref<!tpu.dma_semaphore, #tpu.memory_space<semaphore_mem>>)
      %dma_wait3A_155 = arith.constant 12288 : i32
      %dma_wait3A_156 = tpu.memref_slice %arg4[%select_n3A_83, %select_n3A_99, %dma_wait3A_155] : memref<26x16x16384xf32, #tpu.memory_space<hbm>> -> memref<1x1x4096xf32, #tpu.memory_space<hbm>>
      %dma_wait3A_157 = tpu.memref_squeeze %dma_wait3A_156 : memref<1x1x4096xf32, #tpu.memory_space<hbm>> -> memref<4096xf32, #tpu.memory_space<hbm>>
      %dma_wait3A_158 = arith.constant 12288 : i32
      %dma_wait3A_159 = tpu.memref_slice %arg4[%select_n3A_83, %select_n3A_99, %dma_wait3A_158] : memref<26x16x16384xf32, #tpu.memory_space<hbm>> -> memref<1x1x4096xf32, #tpu.memory_space<hbm>>
      %dma_wait3A_160 = tpu.memref_squeeze %dma_wait3A_159 : memref<1x1x4096xf32, #tpu.memory_space<hbm>> -> memref<4096xf32, #tpu.memory_space<hbm>>
      tpu.wait_dma2 semaphore(%arg12 : memref<!tpu.dma_semaphore, #tpu.memory_space<semaphore_mem>>) src(%arg8 : memref<4096xf32, #tpu.memory_space<vmem>>) dst(%dma_wait3A_160 : memref<4096xf32, #tpu.memory_space<hbm>>)
      %scan3A_161 = arith.constant 0 : i32
      %scan3A_162 = arith.constant 0 : i32
      %scan3A_163 = arith.constant 16 : i32
      %scan3A_164 = arith.addi %scan3A_162, %scan3A_163 : i32
      %scan3A_165 = arith.constant 1 : i32
      scf.for %scan3A_180 = %scan3A_162 to %scan3A_164 step %scan3A_165  : i32 {
        %mul3A_181 = arith.constant 256 : i32
        %mul3A_182 = arith.muli %scan3A_180, %mul3A_181 : i32
        %add3A_183 = arith.constant 12288 : i32
        %add3A_184 = arith.addi %add3A_183, %mul3A_182 : i32
        %add3A_185 = arith.constant 0 : i32
        %add3A_186 = arith.addi %add3A_184, %add3A_185 : i32
        %get3A = arith.index_cast %add3A_186 : i32 to index
        %get3A_187 = tpu.vector_load %arg6[%get3A] {strides = array<i32>} : memref<16384xi32, #tpu.memory_space<vmem>>, vector<16xi32>,
        %mul3A_188 = arith.constant 256 : i32
        %mul3A_189 = arith.muli %scan3A_180, %mul3A_188 : i32
        %add3A_190 = arith.constant 12288 : i32
        %add3A_191 = arith.addi %add3A_190, %mul3A_189 : i32
        %add3A_192 = arith.constant 16 : i32
        %add3A_193 = arith.addi %add3A_191, %add3A_192 : i32
        %get3A_194 = arith.index_cast %add3A_193 : i32 to index
        %get3A_195 = tpu.vector_load %arg6[%get3A_194] {strides = array<i32>} : memref<16384xi32, #tpu.memory_space<vmem>>, vector<16xi32>,
        %mul3A_196 = arith.constant 256 : i32
        %mul3A_197 = arith.muli %scan3A_180, %mul3A_196 : i32
        %add3A_198 = arith.constant 12288 : i32
        %add3A_199 = arith.addi %add3A_198, %mul3A_197 : i32
        %add3A_200 = arith.constant 32 : i32
        %add3A_201 = arith.addi %add3A_199, %add3A_200 : i32
        %get3A_202 = arith.index_cast %add3A_201 : i32 to index
        %get3A_203 = tpu.vector_load %arg6[%get3A_202] {strides = array<i32>} : memref<16384xi32, #tpu.memory_space<vmem>>, vector<16xi32>,
        %mul3A_204 = arith.constant 256 : i32
        %mul3A_205 = arith.muli %scan3A_180, %mul3A_204 : i32
        %add3A_206 = arith.constant 12288 : i32
        %add3A_207 = arith.addi %add3A_206, %mul3A_205 : i32
        %add3A_208 = arith.constant 48 : i32
        %add3A_209 = arith.addi %add3A_207, %add3A_208 : i32
        %get3A_210 = arith.index_cast %add3A_209 : i32 to index
        %get3A_211 = tpu.vector_load %arg6[%get3A_210] {strides = array<i32>} : memref<16384xi32, #tpu.memory_space<vmem>>, vector<16xi32>,
        %mul3A_212 = arith.constant 256 : i32
        %mul3A_213 = arith.muli %scan3A_180, %mul3A_212 : i32
        %add3A_214 = arith.constant 12288 : i32
        %add3A_215 = arith.addi %add3A_214, %mul3A_213 : i32
        %add3A_216 = arith.constant 64 : i32
        %add3A_217 = arith.addi %add3A_215, %add3A_216 : i32
        %get3A_218 = arith.index_cast %add3A_217 : i32 to index
        %get3A_219 = tpu.vector_load %arg6[%get3A_218] {strides = array<i32>} : memref<16384xi32, #tpu.memory_space<vmem>>, vector<16xi32>,
        %mul3A_220 = arith.constant 256 : i32
        %mul3A_221 = arith.muli %scan3A_180, %mul3A_220 : i32
        %add3A_222 = arith.constant 12288 : i32
        %add3A_223 = arith.addi %add3A_222, %mul3A_221 : i32
        %add3A_224 = arith.constant 80 : i32
        %add3A_225 = arith.addi %add3A_223, %add3A_224 : i32
        %get3A_226 = arith.index_cast %add3A_225 : i32 to index
        %get3A_227 = tpu.vector_load %arg6[%get3A_226] {strides = array<i32>} : memref<16384xi32, #tpu.memory_space<vmem>>, vector<16xi32>,
        %mul3A_228 = arith.constant 256 : i32
        %mul3A_229 = arith.muli %scan3A_180, %mul3A_228 : i32
        %add3A_230 = arith.constant 12288 : i32
        %add3A_231 = arith.addi %add3A_230, %mul3A_229 : i32
        %add3A_232 = arith.constant 96 : i32
        %add3A_233 = arith.addi %add3A_231, %add3A_232 : i32
        %get3A_234 = arith.index_cast %add3A_233 : i32 to index
        %get3A_235 = tpu.vector_load %arg6[%get3A_234] {strides = array<i32>} : memref<16384xi32, #tpu.memory_space<vmem>>, vector<16xi32>,
        %mul3A_236 = arith.constant 256 : i32
        %mul3A_237 = arith.muli %scan3A_180, %mul3A_236 : i32
        %add3A_238 = arith.constant 12288 : i32
        %add3A_239 = arith.addi %add3A_238, %mul3A_237 : i32
        %add3A_240 = arith.constant 112 : i32
        %add3A_241 = arith.addi %add3A_239, %add3A_240 : i32
        %get3A_242 = arith.index_cast %add3A_241 : i32 to index
        %get3A_243 = tpu.vector_load %arg6[%get3A_242] {strides = array<i32>} : memref<16384xi32, #tpu.memory_space<vmem>>, vector<16xi32>,
        %mul3A_244 = arith.constant 256 : i32
        %mul3A_245 = arith.muli %scan3A_180, %mul3A_244 : i32
        %add3A_246 = arith.constant 12288 : i32
        %add3A_247 = arith.addi %add3A_246, %mul3A_245 : i32
        %add3A_248 = arith.constant 128 : i32
        %add3A_249 = arith.addi %add3A_247, %add3A_248 : i32
        %get3A_250 = arith.index_cast %add3A_249 : i32 to index
        %get3A_251 = tpu.vector_load %arg6[%get3A_250] {strides = array<i32>} : memref<16384xi32, #tpu.memory_space<vmem>>, vector<16xi32>,
        %mul3A_252 = arith.constant 256 : i32
        %mul3A_253 = arith.muli %scan3A_180, %mul3A_252 : i32
        %add3A_254 = arith.constant 12288 : i32
        %add3A_255 = arith.addi %add3A_254, %mul3A_253 : i32
        %add3A_256 = arith.constant 144 : i32
        %add3A_257 = arith.addi %add3A_255, %add3A_256 : i32
        %get3A_258 = arith.index_cast %add3A_257 : i32 to index
        %get3A_259 = tpu.vector_load %arg6[%get3A_258] {strides = array<i32>} : memref<16384xi32, #tpu.memory_space<vmem>>, vector<16xi32>,
        %mul3A_260 = arith.constant 256 : i32
        %mul3A_261 = arith.muli %scan3A_180, %mul3A_260 : i32
        %add3A_262 = arith.constant 12288 : i32
        %add3A_263 = arith.addi %add3A_262, %mul3A_261 : i32
        %add3A_264 = arith.constant 160 : i32
        %add3A_265 = arith.addi %add3A_263, %add3A_264 : i32
        %get3A_266 = arith.index_cast %add3A_265 : i32 to index
        %get3A_267 = tpu.vector_load %arg6[%get3A_266] {strides = array<i32>} : memref<16384xi32, #tpu.memory_space<vmem>>, vector<16xi32>,
        %mul3A_268 = arith.constant 256 : i32
        %mul3A_269 = arith.muli %scan3A_180, %mul3A_268 : i32
        %add3A_270 = arith.constant 12288 : i32
        %add3A_271 = arith.addi %add3A_270, %mul3A_269 : i32
        %add3A_272 = arith.constant 176 : i32
        %add3A_273 = arith.addi %add3A_271, %add3A_272 : i32
        %get3A_274 = arith.index_cast %add3A_273 : i32 to index
        %get3A_275 = tpu.vector_load %arg6[%get3A_274] {strides = array<i32>} : memref<16384xi32, #tpu.memory_space<vmem>>, vector<16xi32>,
        %mul3A_276 = arith.constant 256 : i32
        %mul3A_277 = arith.muli %scan3A_180, %mul3A_276 : i32
        %add3A_278 = arith.constant 12288 : i32
        %add3A_279 = arith.addi %add3A_278, %mul3A_277 : i32
        %add3A_280 = arith.constant 192 : i32
        %add3A_281 = arith.addi %add3A_279, %add3A_280 : i32
        %get3A_282 = arith.index_cast %add3A_281 : i32 to index
        %get3A_283 = tpu.vector_load %arg6[%get3A_282] {strides = array<i32>} : memref<16384xi32, #tpu.memory_space<vmem>>, vector<16xi32>,
        %mul3A_284 = arith.constant 256 : i32
        %mul3A_285 = arith.muli %scan3A_180, %mul3A_284 : i32
        %add3A_286 = arith.constant 12288 : i32
        %add3A_287 = arith.addi %add3A_286, %mul3A_285 : i32
        %add3A_288 = arith.constant 208 : i32
        %add3A_289 = arith.addi %add3A_287, %add3A_288 : i32
        %get3A_290 = arith.index_cast %add3A_289 : i32 to index
        %get3A_291 = tpu.vector_load %arg6[%get3A_290] {strides = array<i32>} : memref<16384xi32, #tpu.memory_space<vmem>>, vector<16xi32>,
        %mul3A_292 = arith.constant 256 : i32
        %mul3A_293 = arith.muli %scan3A_180, %mul3A_292 : i32
        %add3A_294 = arith.constant 12288 : i32
        %add3A_295 = arith.addi %add3A_294, %mul3A_293 : i32
        %add3A_296 = arith.constant 224 : i32
        %add3A_297 = arith.addi %add3A_295, %add3A_296 : i32
        %get3A_298 = arith.index_cast %add3A_297 : i32 to index
        %get3A_299 = tpu.vector_load %arg6[%get3A_298] {strides = array<i32>} : memref<16384xi32, #tpu.memory_space<vmem>>, vector<16xi32>,
        %mul3A_300 = arith.constant 256 : i32
        %mul3A_301 = arith.muli %scan3A_180, %mul3A_300 : i32
        %add3A_302 = arith.constant 12288 : i32
        %add3A_303 = arith.addi %add3A_302, %mul3A_301 : i32
        %add3A_304 = arith.constant 240 : i32
        %add3A_305 = arith.addi %add3A_303, %add3A_304 : i32
        %get3A_306 = arith.index_cast %add3A_305 : i32 to index
        %get3A_307 = tpu.vector_load %arg6[%get3A_306] {strides = array<i32>} : memref<16384xi32, #tpu.memory_space<vmem>>, vector<16xi32>,
        %gather3A = tpu.vector_load_idx %arg5[%get3A_187] : memref<100000xf32, #tpu.memory_space<vmem>>[vector<16xi32>], vector<16xf32>,
        %gather3A_308 = tpu.vector_load_idx %arg5[%get3A_195] : memref<100000xf32, #tpu.memory_space<vmem>>[vector<16xi32>], vector<16xf32>,
        %gather3A_309 = tpu.vector_load_idx %arg5[%get3A_203] : memref<100000xf32, #tpu.memory_space<vmem>>[vector<16xi32>], vector<16xf32>,
        %gather3A_310 = tpu.vector_load_idx %arg5[%get3A_211] : memref<100000xf32, #tpu.memory_space<vmem>>[vector<16xi32>], vector<16xf32>,
        %gather3A_311 = tpu.vector_load_idx %arg5[%get3A_219] : memref<100000xf32, #tpu.memory_space<vmem>>[vector<16xi32>], vector<16xf32>,
        %gather3A_312 = tpu.vector_load_idx %arg5[%get3A_227] : memref<100000xf32, #tpu.memory_space<vmem>>[vector<16xi32>], vector<16xf32>,
        %gather3A_313 = tpu.vector_load_idx %arg5[%get3A_235] : memref<100000xf32, #tpu.memory_space<vmem>>[vector<16xi32>], vector<16xf32>,
        %gather3A_314 = tpu.vector_load_idx %arg5[%get3A_243] : memref<100000xf32, #tpu.memory_space<vmem>>[vector<16xi32>], vector<16xf32>,
        %gather3A_315 = tpu.vector_load_idx %arg5[%get3A_251] : memref<100000xf32, #tpu.memory_space<vmem>>[vector<16xi32>], vector<16xf32>,
        %gather3A_316 = tpu.vector_load_idx %arg5[%get3A_259] : memref<100000xf32, #tpu.memory_space<vmem>>[vector<16xi32>], vector<16xf32>,
        %gather3A_317 = tpu.vector_load_idx %arg5[%get3A_267] : memref<100000xf32, #tpu.memory_space<vmem>>[vector<16xi32>], vector<16xf32>,
        %gather3A_318 = tpu.vector_load_idx %arg5[%get3A_275] : memref<100000xf32, #tpu.memory_space<vmem>>[vector<16xi32>], vector<16xf32>,
        %gather3A_319 = tpu.vector_load_idx %arg5[%get3A_283] : memref<100000xf32, #tpu.memory_space<vmem>>[vector<16xi32>], vector<16xf32>,
        %gather3A_320 = tpu.vector_load_idx %arg5[%get3A_291] : memref<100000xf32, #tpu.memory_space<vmem>>[vector<16xi32>], vector<16xf32>,
        %gather3A_321 = tpu.vector_load_idx %arg5[%get3A_299] : memref<100000xf32, #tpu.memory_space<vmem>>[vector<16xi32>], vector<16xf32>,
        %gather3A_322 = tpu.vector_load_idx %arg5[%get3A_307] : memref<100000xf32, #tpu.memory_space<vmem>>[vector<16xi32>], vector<16xf32>,
        %mul3A_323 = arith.constant 256 : i32
        %mul3A_324 = arith.muli %scan3A_180, %mul3A_323 : i32
        %add3A_325 = arith.constant 0 : i32
        %add3A_326 = arith.addi %mul3A_324, %add3A_325 : i32
        %swap3A = arith.index_cast %add3A_326 : i32 to index
        %swap3A_327 = tpu.vector_load %arg8[%swap3A] {strides = array<i32>} : memref<4096xf32, #tpu.memory_space<vmem>>, vector<16xf32>,
        tpu.vector_store %arg8[%swap3A], %gather3A {strides = array<i32>} : memref<4096xf32, #tpu.memory_space<vmem>>, vector<16xf32>,
        %mul3A_328 = arith.constant 256 : i32
        %mul3A_329 = arith.muli %scan3A_180, %mul3A_328 : i32
        %add3A_330 = arith.constant 16 : i32
        %add3A_331 = arith.addi %mul3A_329, %add3A_330 : i32
        %swap3A_332 = arith.index_cast %add3A_331 : i32 to index
        %swap3A_333 = tpu.vector_load %arg8[%swap3A_332] {strides = array<i32>} : memref<4096xf32, #tpu.memory_space<vmem>>, vector<16xf32>,
        tpu.vector_store %arg8[%swap3A_332], %gather3A_308 {strides = array<i32>} : memref<4096xf32, #tpu.memory_space<vmem>>, vector<16xf32>,
        %mul3A_334 = arith.constant 256 : i32
        %mul3A_335 = arith.muli %scan3A_180, %mul3A_334 : i32
        %add3A_336 = arith.constant 32 : i32
        %add3A_337 = arith.addi %mul3A_335, %add3A_336 : i32
        %swap3A_338 = arith.index_cast %add3A_337 : i32 to index
        %swap3A_339 = tpu.vector_load %arg8[%swap3A_338] {strides = array<i32>} : memref<4096xf32, #tpu.memory_space<vmem>>, vector<16xf32>,
        tpu.vector_store %arg8[%swap3A_338], %gather3A_309 {strides = array<i32>} : memref<4096xf32, #tpu.memory_space<vmem>>, vector<16xf32>,
        %mul3A_340 = arith.constant 256 : i32
        %mul3A_341 = arith.muli %scan3A_180, %mul3A_340 : i32
        %add3A_342 = arith.constant 48 : i32
        %add3A_343 = arith.addi %mul3A_341, %add3A_342 : i32
        %swap3A_344 = arith.index_cast %add3A_343 : i32 to index
        %swap3A_345 = tpu.vector_load %arg8[%swap3A_344] {strides = array<i32>} : memref<4096xf32, #tpu.memory_space<vmem>>, vector<16xf32>,
        tpu.vector_store %arg8[%swap3A_344], %gather3A_310 {strides = array<i32>} : memref<4096xf32, #tpu.memory_space<vmem>>, vector<16xf32>,
        %mul3A_346 = arith.constant 256 : i32
        %mul3A_347 = arith.muli %scan3A_180, %mul3A_346 : i32
        %add3A_348 = arith.constant 64 : i32
        %add3A_349 = arith.addi %mul3A_347, %add3A_348 : i32
        %swap3A_350 = arith.index_cast %add3A_349 : i32 to index
        %swap3A_351 = tpu.vector_load %arg8[%swap3A_350] {strides = array<i32>} : memref<4096xf32, #tpu.memory_space<vmem>>, vector<16xf32>,
        tpu.vector_store %arg8[%swap3A_350], %gather3A_311 {strides = array<i32>} : memref<4096xf32, #tpu.memory_space<vmem>>, vector<16xf32>,
        %mul3A_352 = arith.constant 256 : i32
        %mul3A_353 = arith.muli %scan3A_180, %mul3A_352 : i32
        %add3A_354 = arith.constant 80 : i32
        %add3A_355 = arith.addi %mul3A_353, %add3A_354 : i32
        %swap3A_356 = arith.index_cast %add3A_355 : i32 to index
        %swap3A_357 = tpu.vector_load %arg8[%swap3A_356] {strides = array<i32>} : memref<4096xf32, #tpu.memory_space<vmem>>, vector<16xf32>,
        tpu.vector_store %arg8[%swap3A_356], %gather3A_312 {strides = array<i32>} : memref<4096xf32, #tpu.memory_space<vmem>>, vector<16xf32>,
        %mul3A_358 = arith.constant 256 : i32
        %mul3A_359 = arith.muli %scan3A_180, %mul3A_358 : i32
        %add3A_360 = arith.constant 96 : i32
        %add3A_361 = arith.addi %mul3A_359, %add3A_360 : i32
        %swap3A_362 = arith.index_cast %add3A_361 : i32 to index
        %swap3A_363 = tpu.vector_load %arg8[%swap3A_362] {strides = array<i32>} : memref<4096xf32, #tpu.memory_space<vmem>>, vector<16xf32>,
        tpu.vector_store %arg8[%swap3A_362], %gather3A_313 {strides = array<i32>} : memref<4096xf32, #tpu.memory_space<vmem>>, vector<16xf32>,
        %mul3A_364 = arith.constant 256 : i32
        %mul3A_365 = arith.muli %scan3A_180, %mul3A_364 : i32
        %add3A_366 = arith.constant 112 : i32
        %add3A_367 = arith.addi %mul3A_365, %add3A_366 : i32
        %swap3A_368 = arith.index_cast %add3A_367 : i32 to index
        %swap3A_369 = tpu.vector_load %arg8[%swap3A_368] {strides = array<i32>} : memref<4096xf32, #tpu.memory_space<vmem>>, vector<16xf32>,
        tpu.vector_store %arg8[%swap3A_368], %gather3A_314 {strides = array<i32>} : memref<4096xf32, #tpu.memory_space<vmem>>, vector<16xf32>,
        %mul3A_370 = arith.constant 256 : i32
        %mul3A_371 = arith.muli %scan3A_180, %mul3A_370 : i32
        %add3A_372 = arith.constant 128 : i32
        %add3A_373 = arith.addi %mul3A_371, %add3A_372 : i32
        %swap3A_374 = arith.index_cast %add3A_373 : i32 to index
        %swap3A_375 = tpu.vector_load %arg8[%swap3A_374] {strides = array<i32>} : memref<4096xf32, #tpu.memory_space<vmem>>, vector<16xf32>,
        tpu.vector_store %arg8[%swap3A_374], %gather3A_315 {strides = array<i32>} : memref<4096xf32, #tpu.memory_space<vmem>>, vector<16xf32>,
        %mul3A_376 = arith.constant 256 : i32
        %mul3A_377 = arith.muli %scan3A_180, %mul3A_376 : i32
        %add3A_378 = arith.constant 144 : i32
        %add3A_379 = arith.addi %mul3A_377, %add3A_378 : i32
        %swap3A_380 = arith.index_cast %add3A_379 : i32 to index
        %swap3A_381 = tpu.vector_load %arg8[%swap3A_380] {strides = array<i32>} : memref<4096xf32, #tpu.memory_space<vmem>>, vector<16xf32>,
        tpu.vector_store %arg8[%swap3A_380], %gather3A_316 {strides = array<i32>} : memref<4096xf32, #tpu.memory_space<vmem>>, vector<16xf32>,
        %mul3A_382 = arith.constant 256 : i32
        %mul3A_383 = arith.muli %scan3A_180, %mul3A_382 : i32
        %add3A_384 = arith.constant 160 : i32
        %add3A_385 = arith.addi %mul3A_383, %add3A_384 : i32
        %swap3A_386 = arith.index_cast %add3A_385 : i32 to index
        %swap3A_387 = tpu.vector_load %arg8[%swap3A_386] {strides = array<i32>} : memref<4096xf32, #tpu.memory_space<vmem>>, vector<16xf32>,
        tpu.vector_store %arg8[%swap3A_386], %gather3A_317 {strides = array<i32>} : memref<4096xf32, #tpu.memory_space<vmem>>, vector<16xf32>,
        %mul3A_388 = arith.constant 256 : i32
        %mul3A_389 = arith.muli %scan3A_180, %mul3A_388 : i32
        %add3A_390 = arith.constant 176 : i32
        %add3A_391 = arith.addi %mul3A_389, %add3A_390 : i32
        %swap3A_392 = arith.index_cast %add3A_391 : i32 to index
        %swap3A_393 = tpu.vector_load %arg8[%swap3A_392] {strides = array<i32>} : memref<4096xf32, #tpu.memory_space<vmem>>, vector<16xf32>,
        tpu.vector_store %arg8[%swap3A_392], %gather3A_318 {strides = array<i32>} : memref<4096xf32, #tpu.memory_space<vmem>>, vector<16xf32>,
        %mul3A_394 = arith.constant 256 : i32
        %mul3A_395 = arith.muli %scan3A_180, %mul3A_394 : i32
        %add3A_396 = arith.constant 192 : i32
        %add3A_397 = arith.addi %mul3A_395, %add3A_396 : i32
        %swap3A_398 = arith.index_cast %add3A_397 : i32 to index
        %swap3A_399 = tpu.vector_load %arg8[%swap3A_398] {strides = array<i32>} : memref<4096xf32, #tpu.memory_space<vmem>>, vector<16xf32>,
        tpu.vector_store %arg8[%swap3A_398], %gather3A_319 {strides = array<i32>} : memref<4096xf32, #tpu.memory_space<vmem>>, vector<16xf32>,
        %mul3A_400 = arith.constant 256 : i32
        %mul3A_401 = arith.muli %scan3A_180, %mul3A_400 : i32
        %add3A_402 = arith.constant 208 : i32
        %add3A_403 = arith.addi %mul3A_401, %add3A_402 : i32
        %swap3A_404 = arith.index_cast %add3A_403 : i32 to index
        %swap3A_405 = tpu.vector_load %arg8[%swap3A_404] {strides = array<i32>} : memref<4096xf32, #tpu.memory_space<vmem>>, vector<16xf32>,
        tpu.vector_store %arg8[%swap3A_404], %gather3A_320 {strides = array<i32>} : memref<4096xf32, #tpu.memory_space<vmem>>, vector<16xf32>,
        %mul3A_406 = arith.constant 256 : i32
        %mul3A_407 = arith.muli %scan3A_180, %mul3A_406 : i32
        %add3A_408 = arith.constant 224 : i32
        %add3A_409 = arith.addi %mul3A_407, %add3A_408 : i32
        %swap3A_410 = arith.index_cast %add3A_409 : i32 to index
        %swap3A_411 = tpu.vector_load %arg8[%swap3A_410] {strides = array<i32>} : memref<4096xf32, #tpu.memory_space<vmem>>, vector<16xf32>,
        tpu.vector_store %arg8[%swap3A_410], %gather3A_321 {strides = array<i32>} : memref<4096xf32, #tpu.memory_space<vmem>>, vector<16xf32>,
        %mul3A_412 = arith.constant 256 : i32
        %mul3A_413 = arith.muli %scan3A_180, %mul3A_412 : i32
        %add3A_414 = arith.constant 240 : i32
        %add3A_415 = arith.addi %mul3A_413, %add3A_414 : i32
        %swap3A_416 = arith.index_cast %add3A_415 : i32 to index
        %swap3A_417 = tpu.vector_load %arg8[%swap3A_416] {strides = array<i32>} : memref<4096xf32, #tpu.memory_space<vmem>>, vector<16xf32>,
        tpu.vector_store %arg8[%swap3A_416], %gather3A_322 {strides = array<i32>} : memref<4096xf32, #tpu.memory_space<vmem>>, vector<16xf32>,
      }
      %scan3A_166 = arith.constant 16 : i32
      %dma_start3A_167 = arith.constant 12288 : i32
      %dma_start3A_168 = tpu.memref_slice %arg4[%select_n3A_83, %select_n3A_99, %dma_start3A_167] : memref<26x16x16384xf32, #tpu.memory_space<hbm>> -> memref<1x1x4096xf32, #tpu.memory_space<hbm>>
      %dma_start3A_169 = tpu.memref_squeeze %dma_start3A_168 : memref<1x1x4096xf32, #tpu.memory_space<hbm>> -> memref<4096xf32, #tpu.memory_space<hbm>>
      %dma_start3A_170 = arith.constant 12288 : i32
      %dma_start3A_171 = tpu.memref_slice %arg4[%select_n3A_83, %select_n3A_99, %dma_start3A_170] : memref<26x16x16384xf32, #tpu.memory_space<hbm>> -> memref<1x1x4096xf32, #tpu.memory_space<hbm>>
      %dma_start3A_172 = tpu.memref_squeeze %dma_start3A_171 : memref<1x1x4096xf32, #tpu.memory_space<hbm>> -> memref<4096xf32, #tpu.memory_space<hbm>>
      tpu.enqueue_dma source(%arg8 : memref<4096xf32, #tpu.memory_space<vmem>>) target(%dma_start3A_172 : memref<4096xf32, #tpu.memory_space<hbm>>) target_semaphore(%arg12 : memref<!tpu.dma_semaphore, #tpu.memory_space<semaphore_mem>>)
      %add3A_173 = arith.constant 1 : i32
      %add3A_174 = arith.addi %scan3A_58, %add3A_173 : i32
      %lt3A_175 = arith.constant 13 : i32
      %lt3A_176 = arith.cmpi slt, %add3A_174, %lt3A_175 : i32
      %convert_element_type3A_177 = arith.extui %lt3A_176 : i1 to i32
      %cond3A_178 = arith.constant 0 : i32
      %cond3A_179 = arith.cmpi ne, %convert_element_type3A_177, %cond3A_178 : i32
      scf.if %cond3A_179 {
        %add3A_180 = arith.constant 1 : i32
        %add3A_181 = arith.addi %add3A_59, %add3A_180 : i32
        %jit3A_182 = arith.constant 16 : i32
        %div3A_183 = arith.divsi %add3A_181, %jit3A_182 : i32
        %sign3A_184 = arith.constant 0 : i32
        %sign3A_185 = arith.cmpi sgt, %add3A_181, %sign3A_184 : i32
        %sign3A_186 = arith.extui %sign3A_185 : i1 to i32
        %sign3A_187 = arith.constant 0 : i32
        %sign3A_188 = arith.cmpi slt, %add3A_181, %sign3A_187 : i32
        %sign3A_189 = arith.extui %sign3A_188 : i1 to i32
        %sign3A_190 = arith.subi %sign3A_186, %sign3A_189 : i32
        %sign3A_191 = arith.constant 0 : i32
        %sign3A_192 = arith.cmpi sgt, %jit3A_182, %sign3A_191 : i32
        %sign3A_193 = arith.extui %sign3A_192 : i1 to i32
        %sign3A_194 = arith.constant 0 : i32
        %sign3A_195 = arith.cmpi slt, %jit3A_182, %sign3A_194 : i32
        %sign3A_196 = arith.extui %sign3A_195 : i1 to i32
        %sign3A_197 = arith.subi %sign3A_193, %sign3A_196 : i32
        %ne3A_198 = arith.cmpi ne, %sign3A_190, %sign3A_197 : i32
        %rem3A_199 = arith.remsi %add3A_181, %jit3A_182 : i32
        %ne3A_200 = arith.constant 0 : i32
        %ne3A_201 = arith.cmpi ne, %rem3A_199, %ne3A_200 : i32
        %and3A_202 = arith.andi %ne3A_198, %ne3A_201 : i1
        %sub3A_203 = arith.constant 1 : i32
        %sub3A_204 = arith.subi %div3A_183, %sub3A_203 : i32
        %select_n3A_205 = arith.select %and3A_202, %sub3A_204, %div3A_183 : i32
        %jit3A_206 = arith.constant 16 : i32
        %eq3A_207 = arith.constant 0 : i32
        %eq3A_208 = arith.cmpi eq, %jit3A_206, %eq3A_207 : i32
        %jit3A_209 = arith.constant 1 : i32
        %select_n3A_210 = arith.select %eq3A_208, %jit3A_209, %jit3A_206 : i32
        %rem3A_211 = arith.remsi %add3A_181, %select_n3A_210 : i32
        %ne3A_212 = arith.constant 0 : i32
        %ne3A_213 = arith.cmpi ne, %rem3A_211, %ne3A_212 : i32
        %lt3A_214 = arith.constant 0 : i32
        %lt3A_215 = arith.cmpi slt, %rem3A_211, %lt3A_214 : i32
        %lt3A_216 = arith.constant 0 : i32
        %lt3A_217 = arith.cmpi slt, %select_n3A_210, %lt3A_216 : i32
        %ne3A_218 = arith.xori %lt3A_215, %lt3A_217 : i1
        %and3A_219 = arith.andi %ne3A_218, %ne3A_213 : i1
        %add3A_220 = arith.addi %rem3A_211, %select_n3A_210 : i32
        %select_n3A_221 = arith.select %and3A_219, %add3A_220, %rem3A_211 : i32
        %dma_start3A_222 = arith.constant 0 : i32
        %dma_start3A_223 = tpu.memref_slice %arg3[%select_n3A_205, %select_n3A_221, %dma_start3A_222] : memref<26x16x100000xf32, #tpu.memory_space<hbm>> -> memref<1x1x100000xf32, #tpu.memory_space<hbm>>
        %dma_start3A_224 = tpu.memref_squeeze %dma_start3A_223 : memref<1x1x100000xf32, #tpu.memory_space<hbm>> -> memref<100000xf32, #tpu.memory_space<hbm>>
        %dma_start3A_225 = arith.constant 0 : i32
        %dma_start3A_226 = tpu.memref_slice %arg3[%select_n3A_205, %select_n3A_221, %dma_start3A_225] : memref<26x16x100000xf32, #tpu.memory_space<hbm>> -> memref<1x1x100000xf32, #tpu.memory_space<hbm>>
        %dma_start3A_227 = tpu.memref_squeeze %dma_start3A_226 : memref<1x1x100000xf32, #tpu.memory_space<hbm>> -> memref<100000xf32, #tpu.memory_space<hbm>>
        tpu.enqueue_dma source(%dma_start3A_227 : memref<100000xf32, #tpu.memory_space<hbm>>) target(%arg5 : memref<100000xf32, #tpu.memory_space<vmem>>) target_semaphore(%arg9 : memref<!tpu.dma_semaphore, #tpu.memory_space<semaphore_mem>>)
        %ne3A_228 = arith.cmpi ne, %select_n3A_205, %select_n3A_83 : i32
        %convert_element_type3A_229 = arith.extui %ne3A_228 : i1 to i32
        %cond3A_230 = arith.constant 0 : i32
        %cond3A_231 = arith.cmpi ne, %convert_element_type3A_229, %cond3A_230 : i32
        scf.if %cond3A_231 {
          "tpu.region"() ({
            %run_scoped3A = tpu.sem_alloc : memref<!tpu.dma_semaphore, #tpu.memory_space<semaphore_mem>>
            %dma_start3A_232 = arith.constant 0 : i32
            %dma_start3A_233 = tpu.memref_slice %arg2[%select_n3A_205, %dma_start3A_232] : memref<26x16384xi32, #tpu.memory_space<hbm>> -> memref<1x16384xi32, #tpu.memory_space<hbm>>
            %dma_start3A_234 = tpu.memref_squeeze %dma_start3A_233 : memref<1x16384xi32, #tpu.memory_space<hbm>> -> memref<16384xi32, #tpu.memory_space<hbm>>
            %dma_start3A_235 = arith.constant 0 : i32
            %dma_start3A_236 = tpu.memref_slice %arg2[%select_n3A_205, %dma_start3A_235] : memref<26x16384xi32, #tpu.memory_space<hbm>> -> memref<1x16384xi32, #tpu.memory_space<hbm>>
            %dma_start3A_237 = tpu.memref_squeeze %dma_start3A_236 : memref<1x16384xi32, #tpu.memory_space<hbm>> -> memref<16384xi32, #tpu.memory_space<hbm>>
            tpu.enqueue_dma source(%dma_start3A_237 : memref<16384xi32, #tpu.memory_space<hbm>>) target(%arg6 : memref<16384xi32, #tpu.memory_space<vmem>>) target_semaphore(%run_scoped3A : memref<!tpu.dma_semaphore, #tpu.memory_space<semaphore_mem>>)
            %dma_wait3A_238 = arith.constant 0 : i32
            %dma_wait3A_239 = tpu.memref_slice %arg2[%select_n3A_205, %dma_wait3A_238] : memref<26x16384xi32, #tpu.memory_space<hbm>> -> memref<1x16384xi32, #tpu.memory_space<hbm>>
            %dma_wait3A_240 = tpu.memref_squeeze %dma_wait3A_239 : memref<1x16384xi32, #tpu.memory_space<hbm>> -> memref<16384xi32, #tpu.memory_space<hbm>>
            %dma_wait3A_241 = arith.constant 0 : i32
            %dma_wait3A_242 = tpu.memref_slice %arg2[%select_n3A_205, %dma_wait3A_241] : memref<26x16384xi32, #tpu.memory_space<hbm>> -> memref<1x16384xi32, #tpu.memory_space<hbm>>
            %dma_wait3A_243 = tpu.memref_squeeze %dma_wait3A_242 : memref<1x16384xi32, #tpu.memory_space<hbm>> -> memref<16384xi32, #tpu.memory_space<hbm>>
            tpu.wait_dma2 semaphore(%run_scoped3A : memref<!tpu.dma_semaphore, #tpu.memory_space<semaphore_mem>>) src(%dma_wait3A_243 : memref<16384xi32, #tpu.memory_space<hbm>>) dst(%arg6 : memref<16384xi32, #tpu.memory_space<vmem>>)
            tpu.yield
          }) : () -> ()
        } else {
        }
      } else {
      }
    }
    %scan3A_42 = arith.constant 13 : i32
    %dma_wait3A = arith.constant 0 : i32
    %dma_wait3A_43 = arith.constant 0 : i32
    %dma_wait3A_44 = arith.constant 8192 : i32
    %dma_wait3A_45 = tpu.memref_slice %arg4[%dma_wait3A, %dma_wait3A_43, %dma_wait3A_44] : memref<26x16x16384xf32, #tpu.memory_space<hbm>> -> memref<1x1x4096xf32, #tpu.memory_space<hbm>>
    %dma_wait3A_46 = tpu.memref_squeeze %dma_wait3A_45 : memref<1x1x4096xf32, #tpu.memory_space<hbm>> -> memref<4096xf32, #tpu.memory_space<hbm>>
    %dma_wait3A_47 = arith.constant 8192 : i32
    %dma_wait3A_48 = tpu.memref_slice %arg4[%dma_wait3A, %dma_wait3A_43, %dma_wait3A_47] : memref<26x16x16384xf32, #tpu.memory_space<hbm>> -> memref<1x1x4096xf32, #tpu.memory_space<hbm>>
    %dma_wait3A_49 = tpu.memref_squeeze %dma_wait3A_48 : memref<1x1x4096xf32, #tpu.memory_space<hbm>> -> memref<4096xf32, #tpu.memory_space<hbm>>
    tpu.wait_dma2 semaphore(%arg11 : memref<!tpu.dma_semaphore, #tpu.memory_space<semaphore_mem>>) src(%arg7 : memref<4096xf32, #tpu.memory_space<vmem>>) dst(%dma_wait3A_49 : memref<4096xf32, #tpu.memory_space<hbm>>)
    %dma_wait3A_50 = arith.constant 0 : i32
    %dma_wait3A_51 = arith.constant 0 : i32
    %dma_wait3A_52 = arith.constant 12288 : i32
    %dma_wait3A_53 = tpu.memref_slice %arg4[%dma_wait3A_50, %dma_wait3A_51, %dma_wait3A_52] : memref<26x16x16384xf32, #tpu.memory_space<hbm>> -> memref<1x1x4096xf32, #tpu.memory_space<hbm>>
    %dma_wait3A_54 = tpu.memref_squeeze %dma_wait3A_53 : memref<1x1x4096xf32, #tpu.memory_space<hbm>> -> memref<4096xf32, #tpu.memory_space<hbm>>
    %dma_wait3A_55 = arith.constant 12288 : i32
    %dma_wait3A_56 = tpu.memref_slice %arg4[%dma_wait3A_50, %dma_wait3A_51, %dma_wait3A_55] : memref<26x16x16384xf32, #tpu.memory_space<hbm>> -> memref<1x1x4096xf32, #tpu.memory_space<hbm>>
    %dma_wait3A_57 = tpu.memref_squeeze %dma_wait3A_56 : memref<1x1x4096xf32, #tpu.memory_space<hbm>> -> memref<4096xf32, #tpu.memory_space<hbm>>
    tpu.wait_dma2 semaphore(%arg12 : memref<!tpu.dma_semaphore, #tpu.memory_space<semaphore_mem>>) src(%arg8 : memref<4096xf32, #tpu.memory_space<vmem>>) dst(%dma_wait3A_57 : memref<4096xf32, #tpu.memory_space<hbm>>)
    return
  }
}

</mosaic_0001>

<sc_bundles>
// kernel: kernel.3.cloned.1.call-start
scs
__scs_entry_jumppad:
0x0: {  	(pc) =	sbr.rel $0x88, $3  }
0x1: {  	(tag) =	ssettag $0x0;
	lr =	simm.s32 $0x1  }
0x2: {  	[smem:$0x3F9F] =	sst lr;
	_ =	strace $0xD0000000  }
0x3: {  	_ = 	snop  }
0x4: {  	_ = 	snop  }
0x5: {  	_ = 	snop  }
0x6: {  	_ = 	snop  }
0x7: {  	_ = 	snop  }
__scs_overlays_trampoline_lowered:
0x8: {  	[smem:$0x3FAE] =	sst s0  }
0x9: {  	[smem:$0x3FAF] =	sst s1  }
0xa: {  	[smem:$0x3FB0] =	sst s2  }
0xb: {  	[smem:$0x3FB1] =	sst s3  }
0xc: {  	[smem:$0x3FB2] =	sst s4  }
0xd: {  	[smem:$0x3FB3] =	sst s5  }
0xe: {  	[smem:$0x3FB4] =	sst s6  }
0xf: {  	[smem:$0x3FB5] =	sst s7  }
0x10: {  	[smem:$0x3FB6] =	sst s8  }
0x11: {  	[smem:$0x3FB7] =	sst s9;
	s0 =	simm.s32 @!p0 $0x0  }
0x12: {  	s1 =	sld [smem:$0x3F9D];
	s0 =	simm.s32 @p0 $0x1  }
0x13: {  	[smem:$0x3FB8] =	sst s0;
	s0 =	simm.s32 @!p1 $0x0  }
0x14: {  	s2 =	sld [smem:$0x3F9C];
	s0 =	simm.s32 @p1 $0x1  }
0x15: {  	[smem:$0x3FB9] =	sst s0;
	s0 =	simm.s32 @!p2 $0x0  }
0x16: {  	s3 =	sld [smem:$0x3FDB];
	s0 =	simm.s32 @p2 $0x1  }
0x17: {  	s4 =	simm.s32 $0x1BF5;
	[smem:$0x3FBB] =	sst s0  }
0x18: {  	s0 =	sld [smem:$0x3F9E];
	_ =	swait.ge [sflag:s4], $0x0  }
0x19: {  	s7 =	sld [smem:$0x3F9F]  }
0x1a: {  	s8 =	sadd.s32 $0xFFFFE003, lr  }
0x1b: {  	s9 =	sadd.s32 $0xFFFFFEF7, lr;
	s5 =	simm.s32 $0xFFFFFFFF;
	p2 =	slt.u32 s8, $0xFFFFF086  }
0x1c: {  	p1 =	slt.u32 s9, $0xF7A;
	s5 =	simm.s32 @!p2 $0x0  }
0x1d: {  	s5 =	simm.s32 @p1 $0x1;
	p0 =	seq.s32 s7, s2  }
0x1e: {  	s7 =	smul.u32 @!p0 $0xF7A, s2;
	p2 =	seq.s32 @!p0 s5, $0x0  }
0x1f: {  	s9 =	smul.u32 $0xF7A, s1;
	s8 =	simm.s32 @!p0 $0x1BF5;
	p2 =	por !p2, p0  }
0x20: {  	[sflag:s8] =	ssyncset.s32 @!p0 $0xFFFFF086;
	s6 =	sadd.s32 @!p0 s3, s7;
	s7 =	simm.s32 @!p0 $0x108  }
0x21: {  	s3 =	sadd.s32 s3, s9;
	s6 =	sadd.s32 @!p0 $0x88, s6;
	s7 =	simm.s32 @p2 $0x1082  }
0x22: {  	[simem:s7], [sflag:s8] =	dma.local @!p0 [hbm:s6], $0xF7A  }
0x23: {  	s9 =	sor.u32 $0xD0000000, s2;
	s6 =	simm.s32 $0x108;
	_ =	swait.ge @!p0 [sflag:s8], $0x0  }
0x24: {  	s3 =	sadd.s32 $0x88, s3;
	s6 =	simm.s32 @!p1 $0x1082;
	[sflag:s4] =	ssyncset.s32 $0xFFFFF086  }
0x25: {  	[simem:s6], [sflag:s4] =	dma.local [hbm:s3], $0xF7A  }
0x26: {  	[smem:$0x3F9F] =	sst s1;
	(tag) =	ssettag s2;
	_ =	strace s9  }
0x27: {  	s1 =	sld [smem:$0x3FAF]  }
0x28: {  	s2 =	sld [smem:$0x3FB0]  }
0x29: {  	s4 =	sld [smem:$0x3FB2]  }
0x2a: {  	p0 =	seq.s32 s5, $0x0;
	s5 =	sld [smem:$0x3FB3]  }
0x2b: {  	s6 =	sld [smem:$0x3FB4]  }
0x2c: {  	s7 =	sld [smem:$0x3FB5]  }
0x2d: {  	s3 =	simm.s32 $0x108;
	s8 =	sld [smem:$0x3FB6]  }
0x2e: {  	s3 =	simm.s32 @!p0 $0x1082;
	s9 =	sld [smem:$0x3FB7]  }
0x2f: {  	lr =	sadd.s32 s0, s3;
	s0 =	sld [smem:$0x3FAE]  }
0x30: {  	s3 =	sld [smem:$0x3FB1]  }
0x31: {  	[smem:$0x3FBA] =	sst s10  }
0x32: {  	s10 =	sld [smem:$0x3FB8];
	_ =	sdelay $0x3  }
0x33: {  	p0 =	seq.s32 s10, $0x1;
	s10 =	sld [smem:$0x3FBA];
	_ =	sdelay $0x3  }
0x34: {  	[smem:$0x3FBA] =	sst s10  }
0x35: {  	s10 =	sld [smem:$0x3FB9];
	_ =	sdelay $0x3  }
0x36: {  	p1 =	seq.s32 s10, $0x1;
	s10 =	sld [smem:$0x3FBA];
	_ =	sdelay $0x3  }
0x37: {  	[smem:$0x3FBA] =	sst s10  }
0x38: {  	s10 =	sld [smem:$0x3FBB]  }
0x39: {  	_ = 	snop;
	(pc) =	sbr.ind lr, $3  }
0x3a: {  	_ = 	snop  }
0x3b: {  	_ = 	snop  }
0x3c: {  	p2 =	seq.s32 s10, $0x1;
	s10 =	sld [smem:$0x3FBA]  }
0x3d: {  	_ =	shalt  }
0x3e: {  	_ =	shalt  }
0x3f: {  	_ =	shalt  }
0x40: {  	_ =	shalt  }
0x41: {  	_ =	shalt  }
0x42: {  	_ =	shalt  }
0x43: {  	_ =	shalt  }
0x44: {  	_ =	shalt  }
0x45: {  	_ =	shalt  }
0x46: {  	_ =	shalt  }
0x47: {  	_ =	shalt  }
0x48: {  	_ =	shalt  }
0x49: {  	_ =	shalt  }
0x4a: {  	_ =	shalt  }
0x4b: {  	_ =	shalt  }
0x4c: {  	_ =	shalt  }
0x4d: {  	_ =	shalt  }
0x4e: {  	_ =	shalt  }
0x4f: {  	_ =	shalt  }
0x50: {  	_ =	shalt  }
0x51: {  	_ =	shalt  }
0x52: {  	_ =	shalt  }
0x53: {  	_ =	shalt  }
0x54: {  	_ =	shalt  }
0x55: {  	_ =	shalt  }
0x56: {  	_ =	shalt  }
0x57: {  	_ =	shalt  }
0x58: {  	_ =	shalt  }
0x59: {  	_ =	shalt  }
0x5a: {  	_ =	shalt  }
0x5b: {  	_ =	shalt  }
0x5c: {  	_ =	shalt  }
0x5d: {  	_ =	shalt  }
0x5e: {  	_ =	shalt  }
0x5f: {  	_ =	shalt  }
0x60: {  	_ =	shalt  }
0x61: {  	_ =	shalt  }
0x62: {  	_ =	shalt  }
0x63: {  	_ =	shalt  }
0x64: {  	_ =	shalt  }
0x65: {  	_ =	shalt  }
0x66: {  	_ =	shalt  }
0x67: {  	_ =	shalt  }
0x68: {  	_ =	shalt  }
0x69: {  	_ =	shalt  }
0x6a: {  	_ =	shalt  }
0x6b: {  	_ =	shalt  }
0x6c: {  	_ =	shalt  }
0x6d: {  	_ =	shalt  }
0x6e: {  	_ =	shalt  }
0x6f: {  	_ =	shalt  }
0x70: {  	_ =	shalt  }
0x71: {  	_ =	shalt  }
0x72: {  	_ =	shalt  }
0x73: {  	_ =	shalt  }
0x74: {  	_ =	shalt  }
0x75: {  	_ =	shalt  }
0x76: {  	_ =	shalt  }
0x77: {  	_ =	shalt  }
0x78: {  	_ =	shalt  }
0x79: {  	_ =	shalt  }
0x7a: {  	_ =	shalt  }
0x7b: {  	_ =	shalt  }
0x7c: {  	_ =	shalt  }
0x7d: {  	_ =	shalt  }
0x7e: {  	_ =	shalt  }
0x7f: {  	_ =	shalt  }
0x80: {  	_ =	shalt  }
0x81: {  	_ =	shalt  }
0x82: {  	_ =	shalt  }
0x83: {  	_ =	shalt  }
0x84: {  	_ =	shalt  }
0x85: {  	_ =	shalt  }
0x86: {  	_ =	shalt  }
0x87: {  	_ =	shalt  }
.Lfunc_end0:
.L_simem_size_0:
called_computation_lowered:
.L_overlay_start_0:
0x88: {  	s2 =	sld [smem:$0x3FD9]  }
0x89: {  	s3 =	sld [smem:$0x3FFE];
	_ =	sdelay $0x1  }
0x8a: {  	s1 =	srdreg.scid  }
0x8b: {  	s0 =	sand.u32 $0x1, s1  }
0x8c: {  	s18 =	sshll.u32 s0, $0xA;
	s2 =	sadd.s32 s3, s2  }
0x8d: {  	s2 =	sadd.s32 s2, s18  }
0x8e: {  	[smem:$0x3FC6] =	sst s2  }
0x8f: {  	_ = 	snop  }
0x90: {  	s2 =	sld [smem:$0x3FC9]  }
0x91: {  	s19 =	sld [smem:$0x3FC8]  }
0x92: {  	s4 =	sld [smem:$0x3FD0];
	(tm) =	ssettm $0x1  }
0x93: {  	s5 =	sld [smem:$0x3FFB];
	_ =	sdelay $0x3  }
0x94: {  	_ =	strace s5  }
0x95: {  	s5 =	sld [smem:$0x3FFC];
	_ =	sdelay $0x3  }
0x96: {  	_ =	strace s5  }
0x97: {  	s5 =	sld [smem:$0x3FFD];
	_ =	sdelay $0x3  }
0x98: {  	_ =	strace s5  }
0x99: {  	_ =	strace $0x8FFFFFFF  }
0x9a: {  	s20 =	sld [smem:$0x3FDB];
	_ =	sdelay $0x1  }
0x9b: {  	s6 =	simm.s32 $_scs_section_size  }
0x9c: {  	s7 =	simm.s32 $_size__tile_overlayer_lowered;
	s8 =	simm.s32 $_tile_overlayer_lowered  }
0x9d: {  	s23 =	simm.s32 $0x1BFF;
	s22 =	sshll.u32 s8, $0x1;
	s5 =	sadd.s32 s6, s20  }
0x9e: {  	s9 =	simm.s32 $0x0;
	s21 =	sshll.u32 s7, $0x1;
	s7 =	sadd.s32 s22, s5  }
0x9f: {  	[timem:s9], [sflag:s23] =	dma.local [hbm:s7], s21  }
0xa0: {  	_ =	swait.ge [sflag:s23], s21  }
0xa1: {  	s6 =	ssub.s32 $0x0, s21;
	[sflag:s23] =	ssyncset.done $0x0  }
0xa2: {  	[sflag:s23] =	ssyncadd.s32 s6;
	_ =	sdelay $0x1  }
0xa3: {  	s24 =	simm.s32 $0x1B8B  }
0xa4: {  	_ =	swait.ge [sflag:s24], $0x1  }
0xa5: {  	[sflag:s24] =	ssyncset.done $0x0  }
0xa6: {  	s25 =	simm.s32 $0x1B8E;
	[sflag:s24] =	ssyncadd.s32 $0xFFFFFFFF  }
0xa7: {  	s26 =	simm.s32 $execute0_lowered;
	[smem:$0x3FD2] =	sst s25  }
0xa8: {  	s6 =	sshll.u32 s26, $0x1;
	_ =	strace $0x80000046;
	[dreg:$0x1] =	wrdreg $0xFFFFFFFF  }
0xa9: {  	s28 =	simm.s32 $_size_execute0_lowered;
	s5 =	sadd.s32 s5, s6;
	[dreg:$0x0] =	wrdreg $0x0  }
0xaa: {  	s6 =	sshll.u32 s28, $0x1;
	[dreg:$0x2] =	wrdreg s5  }
0xab: {  	[dreg:$0x3] =	wrdreg s6  }
0xac: {  	[dreg:$0x4] =	wrdreg $0xC0  }
0xad: {  	_ =	task [dreg:s9], $0x5FFFF  }
0xae: {  	[dreg:$0x1] =	wrdreg $0xFFFFFFFF  }
0xaf: {  	[dreg:$0x0] =	wrdreg $0x60  }
0xb0: {  	[dreg:$0x2] =	wrdreg s2  }
0xb1: {  	[dreg:$0x3] =	wrdreg s19  }
0xb2: {  	[dreg:$0x4] =	wrdreg s4  }
0xb3: {  	[dreg:$0x5] =	wrdreg $0x9  }
0xb4: {  	_ =	task.clear_ibuf [dreg:s9], $0x6FFFF;
	_ =	strace $0x90000046  }
0xb5: {  	s29 =	simm.s32 $0x9;
	_ =	strace $0x80000048  }
0xb6: {  	_ =	swait.ge [sflag:s29], $0x1  }
0xb7: {  	[sflag:s29] =	ssyncadd.s32 $0xFFFFFFFF  }
0xb8: {  	_ =	strace $0x90000048  }
0xb9: {  	_ =	sfence  }
0xba: {  	s30 =	sld [smem:$0x0];
	_ =	sdelay $0x2  }
0xbb: {  	s31 =	sshll.u32 s1, $0xD;
	s1 =	sshrl.u32 s1, $0x2  }
0xbc: {  	s3 =	sand.u32 $0x4000, s31;
	s1 =	sadd.s32 s1, s30  }
0xbd: {  	s0 =	sor.u32 s3, s0;
	s1 =	sshll.u32 s1, $0x11  }
0xbe: {  	s0 =	sor.u32 s1, s0  }
0xbf: {  	s0 =	sadd.s32 $0x8F2B, s0  }
0xc0: {  	[sflag:s0] =	ssyncadd.remote.s32 $0x1  }
0xc1: {  	_ =	sfence.sel $0xFFFF  }
0xc2: {  	[dreg:$0x0] =	wrdreg $0xFFFFFFFF;
	(pc) =	sbr.abs _section_cstart, $3  }
0xc3: {  	[dreg:$0x1] =	wrdreg $0xFFFFFFFF  }
0xc4: {  	_ =	task.clear_ibuf [dreg:s9], $0x2FFFF;
	_ =	strace $0x9FFFFFFF  }
0xc5: {  	(tm) =	ssettm $0x7FFFFFFF  }
tec
execute0_lowered:
.L_overlay_start_1:
0x0: {  	(tag) =	ssettag $0x1  }
0x1: {  	s1 =	srdreg.scid;
	s2 =	rddreg [dreg:$0x0]  }
0x2: {  	s0 =	stileid.u32;
	s4 =	rddreg [dreg:$0x1]  }
0x3: {  	s5 =	rddreg [dreg:$0x2];
	s13 =	simm.s32 $0x80;
	s14 =	simm.s32 $0x400  }
0x4: {  	s15 =	simm.s32 $0x18700;
	s16 =	simm.s32 $0x4;
	s17 =	simm.s32 $0x1  }
0x5: {  	s18 =	simm.s32 $0x1C700;
	s7 =	sand.u32 $0x1, s1;
	s28 =	sshll.u32 s0, $0x1  }
0x6: {  	s19 =	simm.s32 $0x1D700;
	s20 =	simm.s32 $0x2;
	s8 =	sor.u32 s7, s28  }
0x7: {  	s21 =	simm.s32 $0x3;
	s7 =	ssub.s32 $0x2, s7;
	s3 =	smul.u32 $0xD, s8  }
0x8: {  	s22 =	simm.s32 $0x0;
	s8 =	smul.u32 $0x280, s8;
	s11 =	sshrl.u32 s7, $0x1  }
0x9: {  	s1 =	rddreg [dreg:$0x3];
	s12 =	ssub.s32 s7, s11;
	s11 =	sadd.s32 $0x3000, s5  }
0xa: {  	s6 =	sshrl.u32 s3, $0x4;
	s10 =	sshll.u32 s3, $0x1C;
	s8 =	sand.u32 $0x380, s8  }
0xb: {  	s30 =	sshll.u32 s3, $0x7;
	s9 =	smul.u32 $0x187000, s6;
	s10 =	sshra.s32 s10, $0x1F  }
0xc: {  	s31 =	sand.u32 $0x70, s3;
	s6 =	simm.s32 $0x0;
	s10 =	sand.u32 $0xC3800, s10  }
0xd: {  	s12 =	smax.u32 s12, $0x1;
	[smem:$0x7FF] =	sst s6;
	s9 =	sadd.s32 s9, s10  }
0xe: {  	_ =	strace $0x80000047;
	s10 =	sadd.s32 $0x2000, s5;
	s29 =	sor.u32 s8, s9  }
0xf: {  	s8 =	sand.u32 $0xC000, s30;
	s9 =	sadd.s32 s2, s31;
	s7 =	sshrl.u32 s29, $0x3  }
0x10: {  	s8 =	sadd.s32 s8, s9;
	s9 =	sadd.s32 $0x1000, s5;
	s7 =	sadd.s32 s4, s7  }
.LBB2_1:
0x11: {  	[tilespmem:s6], [sflag:$0x1] =	stream.strided.gather [hbm4b:s7+s13], $0x18700, s14, s13, $0x38;
	[tilespmem:$0x1E700] =	vst v63  }
0x12: {  	_ = 	snop  }
0x13: {  	[tilespmem:s15], [sflag:$0x4] =	stream.strided.gather [hbm4b:s8+s13], $0x4000, s14, s13, $0x38;
	[tilespmem:$0x1E700] =	vst v63  }
0x14: {  	_ =	swait.ge [sflag:s16], $0x4000  }
0x15: {  	[sflag:s16] =	ssyncset.done $0x0  }
0x16: {  	s23 =	simm.s32 $0x0;
	[sflag:s16] =	ssyncadd.s32 $0xFFFFC000  }
.LBB2_2:
0x17: {  	_ =	swait.ge [sflag:s17], $0x18700  }
0x18: {  	p0 =	seq.s32 s23, $0x0;
	[sflag:s17] =	ssyncset.done $0x0  }
0x19: {  	s24 =	simm.s32 @!p0 $0x2;
	[sflag:s17] =	ssyncadd.s32 $0xFFFE7900  }
0x1a: {  	_ =	swait.ge @!p0 [sflag:s24], $0x1000  }
0x1b: {  	[sflag:s24] =	ssyncset.done @!p0 $0x0  }
0x1c: {  	s28 =	simm.s32 $0x0;
	[sflag:s24] =	ssyncadd.s32 @!p0 $0xFFFFF000  }
0x1d: {  	v14 =	vld [tilespmem:s28+$0x18700]  }
0x1e: {  	v0 =	vld [tilespmem:s28+$0x18710]  }
0x1f: {  	v1 =	vld [tilespmem:s28+$0x18720]  }
0x20: {  	v2 =	vld [tilespmem:s28+$0x18730]  }
0x21: {  	v3 =	vld [tilespmem:s28+$0x18740]  }
0x22: {  	v4 =	vld [tilespmem:s28+$0x18750]  }
0x23: {  	v5 =	vld [tilespmem:s28+$0x18760]  }
0x24: {  	v7 =	vld [tilespmem:s28+$0x18770]  }
0x25: {  	v9 =	vld [tilespmem:s28+$0x18780]  }
0x26: {  	v6 =	vld [tilespmem:s28+$0x18790]  }
0x27: {  	v8 =	vld [tilespmem:s28+$0x187A0]  }
0x28: {  	v10 =	vld [tilespmem:s28+$0x187B0]  }
0x29: {  	v11 =	vld [tilespmem:s28+$0x187C0]  }
0x2a: {  	v12 =	vld [tilespmem:s28+$0x187D0]  }
0x2b: {  	s25 =	sadd.s32 s3, s23;
	v13 =	vld [tilespmem:s28+$0x187E0]  }
0x2c: {  	s30 =	simm.s32 $0x400;
	s26 =	sshll.u32 s25, $0x4;
	v15 =	vld [tilespmem:s28+$0x187F0]  }
0x2d: {  	s29 =	sand.u32 $0xF, s25;
	s26 =	sand.u32 $0x70, s26;
	s24 =	sshrl.u32 s25, $0x4;
	v14 =	vld.idx.msk [tilespmem:v14+s6+$0x0], $0xffff  }
.LBB2_3:
0x2e: {  	p1 =	sne.s32 s30, $0x3C00;
	v16 =	vld.idx.msk [tilespmem:v0+s6+$0x0], $0xffff  }
0x2f: {  	v17 =	vld.idx.msk [tilespmem:v1+s6+$0x0], $0xffff  }
0x30: {  	v18 =	vld.idx.msk [tilespmem:v2+s6+$0x0], $0xffff  }
0x31: {  	v19 =	vld.idx.msk [tilespmem:v3+s6+$0x0], $0xffff  }
0x32: {  	v20 =	vld.idx.msk [tilespmem:v4+s6+$0x0], $0xffff  }
0x33: {  	v21 =	vld.idx.msk [tilespmem:v5+s6+$0x0], $0xffff  }
0x34: {  	v22 =	vld.idx.msk [tilespmem:v7+s6+$0x0], $0xffff  }
0x35: {  	v23 =	vld.idx.msk [tilespmem:v9+s6+$0x0], $0xffff  }
0x36: {  	v0 =	vld.idx.msk [tilespmem:v15+s6+$0x0], $0xffff  }
0x37: {  	v15 =	vld.idx.msk [tilespmem:v6+s6+$0x0], $0xffff  }
0x38: {  	v24 =	vld.idx.msk [tilespmem:v8+s6+$0x0], $0xffff  }
0x39: {  	v25 =	vld.idx.msk [tilespmem:v10+s6+$0x0], $0xffff  }
0x3a: {  	v26 =	vld.idx.msk [tilespmem:v11+s6+$0x0], $0xffff  }
0x3b: {  	v27 =	vld.idx.msk [tilespmem:v12+s6+$0x0], $0xffff  }
0x3c: {  	s31 =	sshra.s32 s30, $0x2;
	v28 =	vld.idx.msk [tilespmem:v13+s6+$0x0], $0xffff;
	[tilespmem:s28+$0x1C7F0] =	vst v0  }
0x3d: {  	v29 =	vld [tilespmem:s31+$0x18700];
	[tilespmem:s28+$0x1C700] =	vst v14  }
0x3e: {  	v0 =	vld [tilespmem:s31+$0x18710];
	[tilespmem:s28+$0x1C710] =	vst v16  }
0x3f: {  	v1 =	vld [tilespmem:s31+$0x18720];
	[tilespmem:s28+$0x1C720] =	vst v17  }
0x40: {  	v2 =	vld [tilespmem:s31+$0x18730];
	[tilespmem:s28+$0x1C730] =	vst v18  }
0x41: {  	v3 =	vld [tilespmem:s31+$0x18740];
	[tilespmem:s28+$0x1C740] =	vst v19  }
0x42: {  	v4 =	vld [tilespmem:s31+$0x18750];
	[tilespmem:s28+$0x1C750] =	vst v20  }
0x43: {  	v5 =	vld [tilespmem:s31+$0x18760];
	[tilespmem:s28+$0x1C760] =	vst v21  }
0x44: {  	v7 =	vld [tilespmem:s31+$0x18770];
	[tilespmem:s28+$0x1C770] =	vst v22  }
0x45: {  	v9 =	vld [tilespmem:s31+$0x18780];
	[tilespmem:s28+$0x1C780] =	vst v23  }
0x46: {  	v6 =	vld [tilespmem:s31+$0x18790];
	[tilespmem:s28+$0x1C790] =	vst v15  }
0x47: {  	v8 =	vld [tilespmem:s31+$0x187A0];
	[tilespmem:s28+$0x1C7A0] =	vst v24  }
0x48: {  	v10 =	vld [tilespmem:s31+$0x187B0];
	[tilespmem:s28+$0x1C7B0] =	vst v25  }
.Ltmp0:
0x49: {  	v11 =	vld [tilespmem:s31+$0x187C0];
	[tilespmem:s28+$0x1C7C0] =	vst v26;
	(pc) =	sbr.rel @p1 .LBB2_3-.Ltmp0, $4  }
0x4a: {  	v12 =	vld [tilespmem:s31+$0x187D0];
	[tilespmem:s28+$0x1C7D0] =	vst v27  }
0x4b: {  	v13 =	vld [tilespmem:s31+$0x187E0];
	[tilespmem:s28+$0x1C7E0] =	vst v28;
	s28 =	smov.u32 s31  }
0x4c: {  	v15 =	vld [tilespmem:s28+$0x187F0]  }
0x4d: {  	s30 =	sadd.s32 $0x400, s30;
	v14 =	vld.idx.msk [tilespmem:v29+s6+$0x0], $0xffff  }
0x4e: {  	_ =	sdelay $0x3  }
0x4f: {  	v0 =	vld.idx.msk [tilespmem:v0+s6+$0x0], $0xffff  }
0x50: {  	v1 =	vld.idx.msk [tilespmem:v1+s6+$0x0], $0xffff  }
0x51: {  	v2 =	vld.idx.msk [tilespmem:v2+s6+$0x0], $0xffff  }
0x52: {  	v3 =	vld.idx.msk [tilespmem:v3+s6+$0x0], $0xffff  }
0x53: {  	v4 =	vld.idx.msk [tilespmem:v4+s6+$0x0], $0xffff  }
0x54: {  	v5 =	vld.idx.msk [tilespmem:v5+s6+$0x0], $0xffff  }
0x55: {  	v7 =	vld.idx.msk [tilespmem:v7+s6+$0x0], $0xffff  }
0x56: {  	v9 =	vld.idx.msk [tilespmem:v9+s6+$0x0], $0xffff  }
0x57: {  	v6 =	vld.idx.msk [tilespmem:v6+s6+$0x0], $0xffff  }
0x58: {  	v8 =	vld.idx.msk [tilespmem:v8+s6+$0x0], $0xffff  }
0x59: {  	v10 =	vld.idx.msk [tilespmem:v10+s6+$0x0], $0xffff  }
0x5a: {  	v11 =	vld.idx.msk [tilespmem:v11+s6+$0x0], $0xffff  }
0x5b: {  	v12 =	vld.idx.msk [tilespmem:v12+s6+$0x0], $0xffff  }
0x5c: {  	v13 =	vld.idx.msk [tilespmem:v13+s6+$0x0], $0xffff  }
0x5d: {  	v15 =	vld.idx.msk [tilespmem:v15+s6+$0x0], $0xffff;
	[tilespmem:s28+$0x1C700] =	vst v14  }
0x5e: {  	[tilespmem:s28+$0x1C710] =	vst v0  }
0x5f: {  	[tilespmem:s28+$0x1C720] =	vst v1  }
0x60: {  	[tilespmem:s28+$0x1C730] =	vst v2  }
0x61: {  	[tilespmem:s28+$0x1C740] =	vst v3  }
0x62: {  	[tilespmem:s28+$0x1C750] =	vst v4  }
0x63: {  	[tilespmem:s28+$0x1C760] =	vst v5  }
0x64: {  	[tilespmem:s28+$0x1C770] =	vst v7  }
0x65: {  	[tilespmem:s28+$0x1C780] =	vst v9  }
0x66: {  	[tilespmem:s28+$0x1C790] =	vst v6  }
0x67: {  	[tilespmem:s28+$0x1C7A0] =	vst v8  }
0x68: {  	s29 =	sshll.u32 s29, $0xB;
	[tilespmem:s28+$0x1C7B0] =	vst v10  }
0x69: {  	s30 =	sshll.u32 s24, $0xF;
	s29 =	sand.u32 $0x4000, s29;
	[tilespmem:s28+$0x1C7C0] =	vst v11  }
0x6a: {  	s29 =	sor.u32 s30, s29;
	[tilespmem:s28+$0x1C7D0] =	vst v12  }
0x6b: {  	s26 =	sor.u32 s26, s29;
	[tilespmem:s28+$0x1C7E0] =	vst v13  }
0x6c: {  	[tilespmem:s28+$0x1C7F0] =	vst v15;
	s28 =	sadd.s32 s5, s26  }
0x6d: {  	[hbm4b:s28+s13] =	stream.strided.scatter [tilespmem:s18], [sflag:$0x2], $0x1000, s14, s13, $0x38;
	[tilespmem:$0x1E700] =	vst v63  }
0x6e: {  	s28 =	simm.s32 @!p0 $0x3  }
0x6f: {  	_ =	swait.ge @!p0 [sflag:s28], $0x1000  }
0x70: {  	[sflag:s28] =	ssyncset.done @!p0 $0x0  }
0x71: {  	[sflag:s28] =	ssyncadd.s32 @!p0 $0xFFFFF000;
	s28 =	simm.s32 $0x0  }
0x72: {  	v14 =	vld [tilespmem:s28+$0x19700]  }
0x73: {  	v0 =	vld [tilespmem:s28+$0x19710]  }
0x74: {  	v1 =	vld [tilespmem:s28+$0x19720]  }
0x75: {  	v2 =	vld [tilespmem:s28+$0x19730]  }
0x76: {  	v3 =	vld [tilespmem:s28+$0x19740]  }
0x77: {  	v4 =	vld [tilespmem:s28+$0x19750]  }
0x78: {  	v5 =	vld [tilespmem:s28+$0x19760]  }
0x79: {  	v7 =	vld [tilespmem:s28+$0x19770]  }
0x7a: {  	v9 =	vld [tilespmem:s28+$0x19780]  }
0x7b: {  	v6 =	vld [tilespmem:s28+$0x19790]  }
0x7c: {  	v8 =	vld [tilespmem:s28+$0x197A0]  }
0x7d: {  	v10 =	vld [tilespmem:s28+$0x197B0]  }
0x7e: {  	v11 =	vld [tilespmem:s28+$0x197C0]  }
0x7f: {  	v12 =	vld [tilespmem:s28+$0x197D0]  }
0x80: {  	v13 =	vld [tilespmem:s28+$0x197E0]  }
0x81: {  	v15 =	vld [tilespmem:s28+$0x197F0]  }
0x82: {  	s29 =	simm.s32 $0x400;
	v14 =	vld.idx.msk [tilespmem:v14+s6+$0x0], $0xffff  }
.LBB2_5:
0x83: {  	p0 =	sne.s32 s29, $0x3C00;
	v16 =	vld.idx.msk [tilespmem:v0+s6+$0x0], $0xffff  }
0x84: {  	v17 =	vld.idx.msk [tilespmem:v1+s6+$0x0], $0xffff  }
0x85: {  	v18 =	vld.idx.msk [tilespmem:v2+s6+$0x0], $0xffff  }
0x86: {  	v19 =	vld.idx.msk [tilespmem:v3+s6+$0x0], $0xffff  }
0x87: {  	v20 =	vld.idx.msk [tilespmem:v4+s6+$0x0], $0xffff  }
0x88: {  	v21 =	vld.idx.msk [tilespmem:v5+s6+$0x0], $0xffff  }
0x89: {  	v22 =	vld.idx.msk [tilespmem:v7+s6+$0x0], $0xffff  }
0x8a: {  	v23 =	vld.idx.msk [tilespmem:v9+s6+$0x0], $0xffff  }
0x8b: {  	v0 =	vld.idx.msk [tilespmem:v15+s6+$0x0], $0xffff  }
0x8c: {  	v15 =	vld.idx.msk [tilespmem:v6+s6+$0x0], $0xffff  }
0x8d: {  	v24 =	vld.idx.msk [tilespmem:v8+s6+$0x0], $0xffff  }
0x8e: {  	v25 =	vld.idx.msk [tilespmem:v10+s6+$0x0], $0xffff  }
0x8f: {  	v26 =	vld.idx.msk [tilespmem:v11+s6+$0x0], $0xffff  }
0x90: {  	v27 =	vld.idx.msk [tilespmem:v12+s6+$0x0], $0xffff  }
0x91: {  	s30 =	sshra.s32 s29, $0x2;
	v28 =	vld.idx.msk [tilespmem:v13+s6+$0x0], $0xffff;
	[tilespmem:s28+$0x1D7F0] =	vst v0  }
0x92: {  	v29 =	vld [tilespmem:s30+$0x19700];
	[tilespmem:s28+$0x1D700] =	vst v14  }
0x93: {  	v0 =	vld [tilespmem:s30+$0x19710];
	[tilespmem:s28+$0x1D710] =	vst v16  }
0x94: {  	v1 =	vld [tilespmem:s30+$0x19720];
	[tilespmem:s28+$0x1D720] =	vst v17  }
0x95: {  	v2 =	vld [tilespmem:s30+$0x19730];
	[tilespmem:s28+$0x1D730] =	vst v18  }
0x96: {  	v3 =	vld [tilespmem:s30+$0x19740];
	[tilespmem:s28+$0x1D740] =	vst v19  }
0x97: {  	v4 =	vld [tilespmem:s30+$0x19750];
	[tilespmem:s28+$0x1D750] =	vst v20  }
0x98: {  	v5 =	vld [tilespmem:s30+$0x19760];
	[tilespmem:s28+$0x1D760] =	vst v21  }
0x99: {  	v7 =	vld [tilespmem:s30+$0x19770];
	[tilespmem:s28+$0x1D770] =	vst v22  }
0x9a: {  	v9 =	vld [tilespmem:s30+$0x19780];
	[tilespmem:s28+$0x1D780] =	vst v23  }
0x9b: {  	v6 =	vld [tilespmem:s30+$0x19790];
	[tilespmem:s28+$0x1D790] =	vst v15  }
0x9c: {  	v8 =	vld [tilespmem:s30+$0x197A0];
	[tilespmem:s28+$0x1D7A0] =	vst v24  }
0x9d: {  	v10 =	vld [tilespmem:s30+$0x197B0];
	[tilespmem:s28+$0x1D7B0] =	vst v25  }
.Ltmp1:
0x9e: {  	v11 =	vld [tilespmem:s30+$0x197C0];
	[tilespmem:s28+$0x1D7C0] =	vst v26;
	(pc) =	sbr.rel @p0 .LBB2_5-.Ltmp1, $4  }
0x9f: {  	v12 =	vld [tilespmem:s30+$0x197D0];
	[tilespmem:s28+$0x1D7D0] =	vst v27  }
0xa0: {  	v13 =	vld [tilespmem:s30+$0x197E0];
	[tilespmem:s28+$0x1D7E0] =	vst v28;
	s28 =	smov.u32 s30  }
0xa1: {  	v15 =	vld [tilespmem:s28+$0x197F0]  }
0xa2: {  	s29 =	sadd.s32 $0x400, s29;
	v14 =	vld.idx.msk [tilespmem:v29+s6+$0x0], $0xffff  }
0xa3: {  	_ =	sdelay $0x3  }
0xa4: {  	v0 =	vld.idx.msk [tilespmem:v0+s6+$0x0], $0xffff  }
0xa5: {  	v1 =	vld.idx.msk [tilespmem:v1+s6+$0x0], $0xffff  }
0xa6: {  	v2 =	vld.idx.msk [tilespmem:v2+s6+$0x0], $0xffff  }
0xa7: {  	v3 =	vld.idx.msk [tilespmem:v3+s6+$0x0], $0xffff  }
0xa8: {  	v4 =	vld.idx.msk [tilespmem:v4+s6+$0x0], $0xffff  }
0xa9: {  	v5 =	vld.idx.msk [tilespmem:v5+s6+$0x0], $0xffff  }
0xaa: {  	v7 =	vld.idx.msk [tilespmem:v7+s6+$0x0], $0xffff  }
0xab: {  	v9 =	vld.idx.msk [tilespmem:v9+s6+$0x0], $0xffff  }
0xac: {  	v6 =	vld.idx.msk [tilespmem:v6+s6+$0x0], $0xffff  }
0xad: {  	v8 =	vld.idx.msk [tilespmem:v8+s6+$0x0], $0xffff  }
0xae: {  	v10 =	vld.idx.msk [tilespmem:v10+s6+$0x0], $0xffff  }
0xaf: {  	v11 =	vld.idx.msk [tilespmem:v11+s6+$0x0], $0xffff  }
0xb0: {  	v12 =	vld.idx.msk [tilespmem:v12+s6+$0x0], $0xffff  }
0xb1: {  	v13 =	vld.idx.msk [tilespmem:v13+s6+$0x0], $0xffff  }
0xb2: {  	v15 =	vld.idx.msk [tilespmem:v15+s6+$0x0], $0xffff;
	[tilespmem:s28+$0x1D700] =	vst v14  }
0xb3: {  	[tilespmem:s28+$0x1D710] =	vst v0  }
0xb4: {  	[tilespmem:s28+$0x1D720] =	vst v1  }
0xb5: {  	[tilespmem:s28+$0x1D730] =	vst v2  }
0xb6: {  	[tilespmem:s28+$0x1D740] =	vst v3  }
0xb7: {  	[tilespmem:s28+$0x1D750] =	vst v4  }
0xb8: {  	[tilespmem:s28+$0x1D760] =	vst v5  }
0xb9: {  	[tilespmem:s28+$0x1D770] =	vst v7  }
0xba: {  	[tilespmem:s28+$0x1D780] =	vst v9  }
0xbb: {  	[tilespmem:s28+$0x1D790] =	vst v6  }
0xbc: {  	[tilespmem:s28+$0x1D7A0] =	vst v8  }
0xbd: {  	[tilespmem:s28+$0x1D7B0] =	vst v10  }
0xbe: {  	[tilespmem:s28+$0x1D7C0] =	vst v11  }
0xbf: {  	[tilespmem:s28+$0x1D7D0] =	vst v12  }
0xc0: {  	[tilespmem:s28+$0x1D7E0] =	vst v13  }
0xc1: {  	[tilespmem:s28+$0x1D7F0] =	vst v15;
	s28 =	sadd.s32 s26, s9  }
0xc2: {  	[hbm4b:s28+s13] =	stream.strided.scatter [tilespmem:s19], [sflag:$0x3], $0x1000, s14, s13, $0x38;
	[tilespmem:$0x1E700] =	vst v63  }
0xc3: {  	_ =	swait.ge [sflag:s20], $0x1000  }
0xc4: {  	[sflag:s20] =	ssyncset.done $0x0  }
0xc5: {  	s28 =	simm.s32 $0x0;
	[sflag:s20] =	ssyncadd.s32 $0xFFFFF000  }
0xc6: {  	v14 =	vld [tilespmem:s28+$0x1A700]  }
0xc7: {  	v0 =	vld [tilespmem:s28+$0x1A710]  }
0xc8: {  	v1 =	vld [tilespmem:s28+$0x1A720]  }
0xc9: {  	v2 =	vld [tilespmem:s28+$0x1A730]  }
0xca: {  	v3 =	vld [tilespmem:s28+$0x1A740]  }
0xcb: {  	v4 =	vld [tilespmem:s28+$0x1A750]  }
0xcc: {  	v5 =	vld [tilespmem:s28+$0x1A760]  }
0xcd: {  	v7 =	vld [tilespmem:s28+$0x1A770]  }
0xce: {  	v9 =	vld [tilespmem:s28+$0x1A780]  }
0xcf: {  	v6 =	vld [tilespmem:s28+$0x1A790]  }
0xd0: {  	v8 =	vld [tilespmem:s28+$0x1A7A0]  }
0xd1: {  	v10 =	vld [tilespmem:s28+$0x1A7B0]  }
0xd2: {  	v11 =	vld [tilespmem:s28+$0x1A7C0]  }
0xd3: {  	v12 =	vld [tilespmem:s28+$0x1A7D0]  }
0xd4: {  	v13 =	vld [tilespmem:s28+$0x1A7E0]  }
0xd5: {  	v15 =	vld [tilespmem:s28+$0x1A7F0]  }
0xd6: {  	s29 =	sadd.s32 s26, s10;
	s30 =	simm.s32 $0x400;
	v14 =	vld.idx.msk [tilespmem:v14+s6+$0x0], $0xffff  }
.LBB2_7:
0xd7: {  	p0 =	sne.s32 s30, $0x3C00;
	v16 =	vld.idx.msk [tilespmem:v0+s6+$0x0], $0xffff  }
0xd8: {  	v17 =	vld.idx.msk [tilespmem:v1+s6+$0x0], $0xffff  }
0xd9: {  	v18 =	vld.idx.msk [tilespmem:v2+s6+$0x0], $0xffff  }
0xda: {  	v19 =	vld.idx.msk [tilespmem:v3+s6+$0x0], $0xffff  }
0xdb: {  	v20 =	vld.idx.msk [tilespmem:v4+s6+$0x0], $0xffff  }
0xdc: {  	v21 =	vld.idx.msk [tilespmem:v5+s6+$0x0], $0xffff  }
0xdd: {  	v22 =	vld.idx.msk [tilespmem:v7+s6+$0x0], $0xffff  }
0xde: {  	v23 =	vld.idx.msk [tilespmem:v9+s6+$0x0], $0xffff  }
0xdf: {  	v0 =	vld.idx.msk [tilespmem:v15+s6+$0x0], $0xffff  }
0xe0: {  	v15 =	vld.idx.msk [tilespmem:v6+s6+$0x0], $0xffff  }
0xe1: {  	v24 =	vld.idx.msk [tilespmem:v8+s6+$0x0], $0xffff  }
0xe2: {  	v25 =	vld.idx.msk [tilespmem:v10+s6+$0x0], $0xffff  }
0xe3: {  	v26 =	vld.idx.msk [tilespmem:v11+s6+$0x0], $0xffff  }
0xe4: {  	v27 =	vld.idx.msk [tilespmem:v12+s6+$0x0], $0xffff  }
0xe5: {  	s31 =	sshra.s32 s30, $0x2;
	v28 =	vld.idx.msk [tilespmem:v13+s6+$0x0], $0xffff;
	[tilespmem:s28+$0x1C7F0] =	vst v0  }
0xe6: {  	v29 =	vld [tilespmem:s31+$0x1A700];
	[tilespmem:s28+$0x1C700] =	vst v14  }
0xe7: {  	v0 =	vld [tilespmem:s31+$0x1A710];
	[tilespmem:s28+$0x1C710] =	vst v16  }
0xe8: {  	v1 =	vld [tilespmem:s31+$0x1A720];
	[tilespmem:s28+$0x1C720] =	vst v17  }
0xe9: {  	v2 =	vld [tilespmem:s31+$0x1A730];
	[tilespmem:s28+$0x1C730] =	vst v18  }
0xea: {  	v3 =	vld [tilespmem:s31+$0x1A740];
	[tilespmem:s28+$0x1C740] =	vst v19  }
0xeb: {  	v4 =	vld [tilespmem:s31+$0x1A750];
	[tilespmem:s28+$0x1C750] =	vst v20  }
0xec: {  	v5 =	vld [tilespmem:s31+$0x1A760];
	[tilespmem:s28+$0x1C760] =	vst v21  }
0xed: {  	v7 =	vld [tilespmem:s31+$0x1A770];
	[tilespmem:s28+$0x1C770] =	vst v22  }
0xee: {  	v9 =	vld [tilespmem:s31+$0x1A780];
	[tilespmem:s28+$0x1C780] =	vst v23  }
0xef: {  	v6 =	vld [tilespmem:s31+$0x1A790];
	[tilespmem:s28+$0x1C790] =	vst v15  }
0xf0: {  	v8 =	vld [tilespmem:s31+$0x1A7A0];
	[tilespmem:s28+$0x1C7A0] =	vst v24  }
0xf1: {  	v10 =	vld [tilespmem:s31+$0x1A7B0];
	[tilespmem:s28+$0x1C7B0] =	vst v25  }
.Ltmp2:
0xf2: {  	v11 =	vld [tilespmem:s31+$0x1A7C0];
	[tilespmem:s28+$0x1C7C0] =	vst v26;
	(pc) =	sbr.rel @p0 .LBB2_7-.Ltmp2, $4  }
0xf3: {  	v12 =	vld [tilespmem:s31+$0x1A7D0];
	[tilespmem:s28+$0x1C7D0] =	vst v27  }
0xf4: {  	v13 =	vld [tilespmem:s31+$0x1A7E0];
	[tilespmem:s28+$0x1C7E0] =	vst v28;
	s28 =	smov.u32 s31  }
0xf5: {  	v15 =	vld [tilespmem:s28+$0x1A7F0]  }
0xf6: {  	s30 =	sadd.s32 $0x400, s30;
	v14 =	vld.idx.msk [tilespmem:v29+s6+$0x0], $0xffff  }
0xf7: {  	_ =	sdelay $0x3  }
0xf8: {  	v0 =	vld.idx.msk [tilespmem:v0+s6+$0x0], $0xffff  }
0xf9: {  	v1 =	vld.idx.msk [tilespmem:v1+s6+$0x0], $0xffff  }
0xfa: {  	v2 =	vld.idx.msk [tilespmem:v2+s6+$0x0], $0xffff  }
0xfb: {  	v3 =	vld.idx.msk [tilespmem:v3+s6+$0x0], $0xffff  }
0xfc: {  	v4 =	vld.idx.msk [tilespmem:v4+s6+$0x0], $0xffff  }
0xfd: {  	v5 =	vld.idx.msk [tilespmem:v5+s6+$0x0], $0xffff  }
0xfe: {  	v7 =	vld.idx.msk [tilespmem:v7+s6+$0x0], $0xffff  }
0xff: {  	v9 =	vld.idx.msk [tilespmem:v9+s6+$0x0], $0xffff  }
0x100: {  	v6 =	vld.idx.msk [tilespmem:v6+s6+$0x0], $0xffff  }
0x101: {  	v8 =	vld.idx.msk [tilespmem:v8+s6+$0x0], $0xffff  }
0x102: {  	v10 =	vld.idx.msk [tilespmem:v10+s6+$0x0], $0xffff  }
0x103: {  	v11 =	vld.idx.msk [tilespmem:v11+s6+$0x0], $0xffff  }
0x104: {  	v12 =	vld.idx.msk [tilespmem:v12+s6+$0x0], $0xffff  }
0x105: {  	v13 =	vld.idx.msk [tilespmem:v13+s6+$0x0], $0xffff  }
0x106: {  	v15 =	vld.idx.msk [tilespmem:v15+s6+$0x0], $0xffff;
	[tilespmem:s28+$0x1C700] =	vst v14  }
0x107: {  	[tilespmem:s28+$0x1C710] =	vst v0  }
0x108: {  	[tilespmem:s28+$0x1C720] =	vst v1  }
0x109: {  	[tilespmem:s28+$0x1C730] =	vst v2  }
0x10a: {  	[tilespmem:s28+$0x1C740] =	vst v3  }
0x10b: {  	[tilespmem:s28+$0x1C750] =	vst v4  }
0x10c: {  	[tilespmem:s28+$0x1C760] =	vst v5  }
0x10d: {  	[tilespmem:s28+$0x1C770] =	vst v7  }
0x10e: {  	[tilespmem:s28+$0x1C780] =	vst v9  }
0x10f: {  	[tilespmem:s28+$0x1C790] =	vst v6  }
0x110: {  	[tilespmem:s28+$0x1C7A0] =	vst v8  }
0x111: {  	[tilespmem:s28+$0x1C7B0] =	vst v10  }
0x112: {  	[tilespmem:s28+$0x1C7C0] =	vst v11  }
0x113: {  	[tilespmem:s28+$0x1C7D0] =	vst v12  }
0x114: {  	[tilespmem:s28+$0x1C7E0] =	vst v13  }
0x115: {  	[tilespmem:s28+$0x1C7F0] =	vst v15  }
0x116: {  	[hbm4b:s29+s13] =	stream.strided.scatter [tilespmem:s18], [sflag:$0x2], $0x1000, s14, s13, $0x38;
	[tilespmem:$0x1E700] =	vst v63  }
0x117: {  	_ =	swait.ge [sflag:s21], $0x1000  }
0x118: {  	[sflag:s21] =	ssyncset.done $0x0  }
0x119: {  	s28 =	simm.s32 $0x0;
	[sflag:s21] =	ssyncadd.s32 $0xFFFFF000  }
0x11a: {  	v14 =	vld [tilespmem:s28+$0x1B700]  }
0x11b: {  	v0 =	vld [tilespmem:s28+$0x1B710]  }
0x11c: {  	v1 =	vld [tilespmem:s28+$0x1B720]  }
0x11d: {  	v2 =	vld [tilespmem:s28+$0x1B730]  }
0x11e: {  	v3 =	vld [tilespmem:s28+$0x1B740]  }
0x11f: {  	v4 =	vld [tilespmem:s28+$0x1B750]  }
0x120: {  	v5 =	vld [tilespmem:s28+$0x1B760]  }
0x121: {  	v7 =	vld [tilespmem:s28+$0x1B770]  }
0x122: {  	v9 =	vld [tilespmem:s28+$0x1B780]  }
0x123: {  	v6 =	vld [tilespmem:s28+$0x1B790]  }
0x124: {  	v8 =	vld [tilespmem:s28+$0x1B7A0]  }
0x125: {  	v10 =	vld [tilespmem:s28+$0x1B7B0]  }
0x126: {  	v11 =	vld [tilespmem:s28+$0x1B7C0]  }
0x127: {  	v12 =	vld [tilespmem:s28+$0x1B7D0]  }
0x128: {  	v13 =	vld [tilespmem:s28+$0x1B7E0]  }
0x129: {  	v15 =	vld [tilespmem:s28+$0x1B7F0]  }
0x12a: {  	s26 =	sadd.s32 s26, s11;
	s29 =	simm.s32 $0x400;
	v14 =	vld.idx.msk [tilespmem:v14+s6+$0x0], $0xffff  }
.LBB2_9:
0x12b: {  	p0 =	sne.s32 s29, $0x3C00;
	v16 =	vld.idx.msk [tilespmem:v0+s6+$0x0], $0xffff  }
0x12c: {  	v17 =	vld.idx.msk [tilespmem:v1+s6+$0x0], $0xffff  }
0x12d: {  	v18 =	vld.idx.msk [tilespmem:v2+s6+$0x0], $0xffff  }
0x12e: {  	v19 =	vld.idx.msk [tilespmem:v3+s6+$0x0], $0xffff  }
0x12f: {  	v20 =	vld.idx.msk [tilespmem:v4+s6+$0x0], $0xffff  }
0x130: {  	v21 =	vld.idx.msk [tilespmem:v5+s6+$0x0], $0xffff  }
0x131: {  	v22 =	vld.idx.msk [tilespmem:v7+s6+$0x0], $0xffff  }
0x132: {  	v23 =	vld.idx.msk [tilespmem:v9+s6+$0x0], $0xffff  }
0x133: {  	v0 =	vld.idx.msk [tilespmem:v15+s6+$0x0], $0xffff  }
0x134: {  	v15 =	vld.idx.msk [tilespmem:v6+s6+$0x0], $0xffff  }
0x135: {  	v24 =	vld.idx.msk [tilespmem:v8+s6+$0x0], $0xffff  }
0x136: {  	v25 =	vld.idx.msk [tilespmem:v10+s6+$0x0], $0xffff  }
0x137: {  	v26 =	vld.idx.msk [tilespmem:v11+s6+$0x0], $0xffff  }
0x138: {  	v27 =	vld.idx.msk [tilespmem:v12+s6+$0x0], $0xffff  }
0x139: {  	s30 =	sshra.s32 s29, $0x2;
	v28 =	vld.idx.msk [tilespmem:v13+s6+$0x0], $0xffff;
	[tilespmem:s28+$0x1D7F0] =	vst v0  }
0x13a: {  	v29 =	vld [tilespmem:s30+$0x1B700];
	[tilespmem:s28+$0x1D700] =	vst v14  }
0x13b: {  	v0 =	vld [tilespmem:s30+$0x1B710];
	[tilespmem:s28+$0x1D710] =	vst v16  }
0x13c: {  	v1 =	vld [tilespmem:s30+$0x1B720];
	[tilespmem:s28+$0x1D720] =	vst v17  }
0x13d: {  	v2 =	vld [tilespmem:s30+$0x1B730];
	[tilespmem:s28+$0x1D730] =	vst v18  }
0x13e: {  	v3 =	vld [tilespmem:s30+$0x1B740];
	[tilespmem:s28+$0x1D740] =	vst v19  }
0x13f: {  	v4 =	vld [tilespmem:s30+$0x1B750];
	[tilespmem:s28+$0x1D750] =	vst v20  }
0x140: {  	v5 =	vld [tilespmem:s30+$0x1B760];
	[tilespmem:s28+$0x1D760] =	vst v21  }
0x141: {  	v7 =	vld [tilespmem:s30+$0x1B770];
	[tilespmem:s28+$0x1D770] =	vst v22  }
0x142: {  	v9 =	vld [tilespmem:s30+$0x1B780];
	[tilespmem:s28+$0x1D780] =	vst v23  }
0x143: {  	v6 =	vld [tilespmem:s30+$0x1B790];
	[tilespmem:s28+$0x1D790] =	vst v15  }
0x144: {  	v8 =	vld [tilespmem:s30+$0x1B7A0];
	[tilespmem:s28+$0x1D7A0] =	vst v24  }
0x145: {  	v10 =	vld [tilespmem:s30+$0x1B7B0];
	[tilespmem:s28+$0x1D7B0] =	vst v25  }
.Ltmp3:
0x146: {  	v11 =	vld [tilespmem:s30+$0x1B7C0];
	[tilespmem:s28+$0x1D7C0] =	vst v26;
	(pc) =	sbr.rel @p0 .LBB2_9-.Ltmp3, $4  }
0x147: {  	v12 =	vld [tilespmem:s30+$0x1B7D0];
	[tilespmem:s28+$0x1D7D0] =	vst v27  }
0x148: {  	v13 =	vld [tilespmem:s30+$0x1B7E0];
	[tilespmem:s28+$0x1D7E0] =	vst v28;
	s28 =	smov.u32 s30  }
0x149: {  	v15 =	vld [tilespmem:s28+$0x1B7F0]  }
0x14a: {  	s29 =	sadd.s32 $0x400, s29;
	v14 =	vld.idx.msk [tilespmem:v29+s6+$0x0], $0xffff  }
0x14b: {  	_ =	sdelay $0x3  }
0x14c: {  	v0 =	vld.idx.msk [tilespmem:v0+s6+$0x0], $0xffff  }
0x14d: {  	v1 =	vld.idx.msk [tilespmem:v1+s6+$0x0], $0xffff  }
0x14e: {  	v2 =	vld.idx.msk [tilespmem:v2+s6+$0x0], $0xffff  }
0x14f: {  	v3 =	vld.idx.msk [tilespmem:v3+s6+$0x0], $0xffff  }
0x150: {  	v4 =	vld.idx.msk [tilespmem:v4+s6+$0x0], $0xffff  }
0x151: {  	v5 =	vld.idx.msk [tilespmem:v5+s6+$0x0], $0xffff  }
0x152: {  	v7 =	vld.idx.msk [tilespmem:v7+s6+$0x0], $0xffff  }
0x153: {  	v9 =	vld.idx.msk [tilespmem:v9+s6+$0x0], $0xffff  }
0x154: {  	v6 =	vld.idx.msk [tilespmem:v6+s6+$0x0], $0xffff  }
0x155: {  	v8 =	vld.idx.msk [tilespmem:v8+s6+$0x0], $0xffff  }
0x156: {  	v10 =	vld.idx.msk [tilespmem:v10+s6+$0x0], $0xffff  }
0x157: {  	v11 =	vld.idx.msk [tilespmem:v11+s6+$0x0], $0xffff  }
0x158: {  	v12 =	vld.idx.msk [tilespmem:v12+s6+$0x0], $0xffff  }
0x159: {  	v13 =	vld.idx.msk [tilespmem:v13+s6+$0x0], $0xffff  }
0x15a: {  	v15 =	vld.idx.msk [tilespmem:v15+s6+$0x0], $0xffff;
	[tilespmem:s28+$0x1D700] =	vst v14  }
0x15b: {  	[tilespmem:s28+$0x1D710] =	vst v0  }
0x15c: {  	[tilespmem:s28+$0x1D720] =	vst v1  }
0x15d: {  	[tilespmem:s28+$0x1D730] =	vst v2  }
0x15e: {  	[tilespmem:s28+$0x1D740] =	vst v3  }
0x15f: {  	[tilespmem:s28+$0x1D750] =	vst v4  }
0x160: {  	[tilespmem:s28+$0x1D760] =	vst v5  }
0x161: {  	[tilespmem:s28+$0x1D770] =	vst v7  }
0x162: {  	[tilespmem:s28+$0x1D780] =	vst v9  }
0x163: {  	[tilespmem:s28+$0x1D790] =	vst v6  }
0x164: {  	[tilespmem:s28+$0x1D7A0] =	vst v8  }
0x165: {  	[tilespmem:s28+$0x1D7B0] =	vst v10  }
0x166: {  	[tilespmem:s28+$0x1D7C0] =	vst v11  }
0x167: {  	[tilespmem:s28+$0x1D7D0] =	vst v12  }
0x168: {  	p0 =	seq.s32 s23, $0xC;
	[tilespmem:s28+$0x1D7E0] =	vst v13  }
0x169: {  	s25 =	sadd.s32 @!p0 $0x1, s25;
	[tilespmem:s28+$0x1D7F0] =	vst v15  }
0x16a: {  	[hbm4b:s26+s13] =	stream.strided.scatter [tilespmem:s19], [sflag:$0x3], $0x1000, s14, s13, $0x38;
	[tilespmem:$0x1E700] =	vst v63  }
0x16b: {  	s28 =	sshll.u32 @!p0 s25, $0x1C;
	s26 =	sshrl.u32 @!p0 s25, $0x4  }
0x16c: {  	s28 =	sshra.s32 @!p0 s28, $0x1F;
	s29 =	smul.u32 @!p0 $0x187000, s26  }
0x16d: {  	s25 =	sshll.u32 @!p0 s25, $0x7;
	s28 =	sand.u32 @!p0 $0xC3800, s28  }
0x16e: {  	s25 =	sand.u32 @!p0 $0x380, s25;
	s28 =	sadd.s32 @!p0 s29, s28  }
0x16f: {  	p1 =	seq.s32 @!p0 s26, s24;
	s25 =	sor.u32 @!p0 s25, s28  }
0x170: {  	s30 =	simm.s32 @!p0 $0x0;
	p1 =	por p1, p0;
	s25 =	sshrl.u32 @!p0 s25, $0x3  }
0x171: {  	s29 =	simm.s32 @!p0 $0x400;
	s28 =	simm.s32 @!p0 $0x80;
	s25 =	sadd.s32 @!p0 s4, s25  }
0x172: {  	[tilespmem:s30], [sflag:$0x1] =	stream.strided.gather @!p0 [hbm4b:s25+s28], $0x18700, s29, s28, $0x38;
	[tilespmem:$0x1E700] =	vst v63  }
0x173: {  	s24 =	sshll.u32 @!p1 s26, $0xE;
	s25 =	sshll.u32 @!p1 s26, $0x7  }
0x174: {  	s23 =	sadd.s32 $0x1, s23;
	s24 =	sand.u32 @!p1 $0xFFFE0000, s24;
	s25 =	sand.u32 @!p1 $0x380, s25  }
0x175: {  	p2 =	sne.s32 @!p0 s23, $0xD;
	s24 =	sor.u32 @!p1 s25, s24  }
0x176: {  	s26 =	simm.s32 @!p1 $0x400;
	s28 =	simm.s32 @!p1 $0x18700;
	s24 =	sshrl.u32 @!p1 s24, $0x3  }
0x177: {  	p0 =	por p0, !p2;
	s25 =	simm.s32 @!p1 $0x80;
	s24 =	sadd.s32 @!p1 s2, s24  }
0x178: {  	[tilespmem:s28], [sflag:$0x4] =	stream.strided.gather @!p1 [hbm4b:s24+s25], $0x4000, s26, s25, $0x38;
	[tilespmem:$0x1E700] =	vst v63  }
.Ltmp4:
0x179: {  	_ = 	snop;
	(pc) =	sbr.rel @!p0 .LBB2_2-.Ltmp4, $4  }
0x17a: {  	s24 =	simm.s32 @!p1 $0x4  }
0x17b: {  	_ =	swait.ge @!p1 [sflag:s24], $0x4000  }
0x17c: {  	[sflag:s24] =	ssyncset.done @!p1 $0x0  }
0x17d: {  	[sflag:s24] =	ssyncadd.s32 @!p1 $0xFFFFC000  }
0x17e: {  	s22 =	sadd.s32 $0x1, s22  }
0x17f: {  	_ =	swait.ge [sflag:s20], $0x1000;
	p0 =	sne.s32 s22, s12  }
.Ltmp5:
0x180: {  	[sflag:s20] =	ssyncset.done $0x0;
	(pc) =	sbr.rel @p0 .LBB2_1-.Ltmp5, $4  }
0x181: {  	[sflag:s20] =	ssyncadd.s32 $0xFFFFF000  }
0x182: {  	_ =	swait.ge [sflag:s21], $0x1000  }
0x183: {  	[sflag:s21] =	ssyncset.done $0x0  }
0x184: {  	[sflag:s21] =	ssyncadd.s32 $0xFFFFF000  }
0x185: {  	_ =	sfence.sel $0x180000  }
0x186: {  	[bflag:$0x0] =	sbarrier.arrive $0xFFFF  }
0x187: {  	p0 =	sne.s32 s0, $0x0;
	_ =	strace $0x90000047  }
0x188: {  	s0 =	sadd.s32 @!p0 $0x100000, s1;
	[bflag:$0x2] =	sbarrier.arrive $0xFFFF  }
0x189: {  	[sflag:s0] =	ssyncadd.tile.s32 @!p0 $0x1;
	_ =	shalt  }
.Lfunc_end2:
_tile_overlayer_lowered:
.L_overlay_start_2:
0x18a: {  	(tag) =	ssettag $0x2  }
0x18b: {  	s0 =	rddreg [dreg:$0x0];
	s2 =	stileid.u32  }
0x18c: {  	s1 =	rddreg [dreg:$0x1];
	p0 =	sne.s32 s2, $0x0  }
0x18d: {  	s3 =	rddreg [dreg:$0x2];
	[bflag:$0x3] =	sbarrier.arrive $0xFFFF;
	s2 =	simm.s32 @!p0 $0x1C04  }
0x18e: {  	[timem:s3], [sflag:s2] =	dma.local @!p0 [hbm:s0], s1  }
0x18f: {  	s0 =	simm.s32 @!p0 $0x4  }
0x190: {  	_ =	swait.ge @!p0 [sflag:s0], s1  }
0x191: {  	s1 =	ssub.s32 @!p0 $0x0, s1;
	[sflag:s0] =	ssyncset.done @!p0 $0x0  }
0x192: {  	[sflag:s0] =	ssyncadd.s32 @!p0 s1  }
0x193: {  	[bflag:$0x3] =	sbarrier.arrive $0xFFFF  }
0x194: {  	_ =	shalt  }

</sc_bundles>
